<compile_context>
chip_gen: v7x
topology: tpu7x:2x2x1
jax: 0.10.2.dev20260603
libtpu: 0.0.44.dev20260713+nightly
codegen_flags: <defaults>
</compile_context>

<pallas_src>
import functools

import jax
import jax.numpy as jnp
from jax import lax
from jax.experimental import pallas as pl
from jax.experimental.pallas import tpu as pltpu
from jax.experimental.pallas import tpu_sc as plsc

IN_FEAT = 128
OUT_FEAT = 128
NUM_RELS = 8
NUM_BASES = 4
N_NODES = 10000
N_EDGES = 320000

NC = 2
NS = 16
L = 16
CW = NUM_RELS * IN_FEAT
ET = N_EDGES // NS
VECS = ET // L
NBLK = 10
BPC = NBLK // NC
RPB = 1040
HROWS = NBLK * RPB
ZR = (RPB + L) // NS
RW = RPB // NS
RBM = 520
CHK = 2000
NCHK = ET // CHK


def _embed_matmul(S, w2):
    def body(s_ref, w_ref, o_ref):
        o_ref[...] = jnp.dot(s_ref[...], w_ref[...],
                             preferred_element_type=jnp.float32)

    return pl.pallas_call(
        body,
        out_shape=jax.ShapeDtypeStruct((NUM_RELS * IN_FEAT, OUT_FEAT),
                                       jnp.float32),
    )(S, w2)


def _sc_counts(src, base, feat, ones_hbm, zeros_h):
    mesh = plsc.VectorSubcoreMesh(core_axis_name="c", subcore_axis_name="s")

    ibuf = pltpu.VMEM((ET,), jnp.int32)

    @functools.partial(
        pl.kernel,
        mesh=mesh,
        out_type=jax.ShapeDtypeStruct((HROWS * CW,), jnp.float32),
        scratch_types=(
            [ibuf] * 3 +
            [pltpu.VMEM((CHK,), jnp.float32)] +
            [pltpu.VMEM_SHARED(((RPB + L) * CW,), jnp.float32)] +
            [pltpu.SemaphoreType.DMA] * 4
        ),
    )
    def k(src_h, base_h, feat_h, ones_h, zeros_hbm, out_h, *refs):
        av, fidxv, scv = refs[0:3]
        onesv = refs[3]
        cblk = refs[4]
        sem_e, sem_f, sem_z, sem_s = refs[5:9]
        c = lax.axis_index("c")
        s = lax.axis_index("s")
        esl = pl.ds(ET * s, ET)

        pltpu.async_copy(src_h.at[esl], av, sem_e)
        pltpu.async_copy(base_h.at[esl], fidxv, sem_e)
        pltpu.async_copy(ones_h, onesv, sem_e)
        pltpu.make_async_copy(src_h.at[esl], av, sem_e).wait()
        pltpu.make_async_copy(base_h.at[esl], fidxv, sem_e).wait()
        pltpu.make_async_copy(ones_h, onesv, sem_e).wait()
        pltpu.async_copy(feat_h.at[av], scv, sem_f).wait()

        def prep(q, carry):
            sl = pl.ds(q * L, L)
            fidxv[sl] = fidxv[sl] + scv[sl]
            return carry

        lax.fori_loop(0, VECS, prep, 0)

        for p in range(BPC):
            lo = (c * BPC + p) * RPB * CW

            zsl = pl.ds(s * ZR * CW, ZR * CW)
            pltpu.async_copy(zeros_hbm, cblk.at[zsl], sem_z)

            def sidx(q, carry):
                sl = pl.ds(q * L, L)
                t = fidxv[sl] - lo
                sink = RPB * CW + (fidxv[sl] & (CW - 1))
                scv[sl] = jnp.where((t >= 0) & (t < RPB * CW), t, sink)
                return carry

            lax.fori_loop(0, VECS, sidx, 0)
            pltpu.make_async_copy(zeros_hbm, cblk.at[pl.ds(0, ZR * CW)],
                                  sem_z).wait()
            plsc.subcore_barrier()

            for k2 in range(NCHK):
                pltpu.async_copy(
                    onesv, cblk.at[scv.at[pl.ds(k2 * CHK, CHK)]],
                    sem_s, add=True)
                if k2 >= 3:
                    pltpu.make_async_copy(onesv, cblk.at[pl.ds(0, CHK)],
                                          sem_s).wait()
            for _ in range(3):
                pltpu.make_async_copy(onesv, cblk.at[pl.ds(0, CHK)],
                                      sem_s).wait()
            plsc.subcore_barrier()

            wsl = pl.ds(s * RW * CW, RW * CW)
            hsl = pl.ds(lo + s * RW * CW, RW * CW)
            pltpu.async_copy(cblk.at[wsl], out_h.at[hsl], sem_z)
            pltpu.make_async_copy(cblk.at[wsl], out_h.at[hsl], sem_z).wait()
            plsc.subcore_barrier()

    return k(src, base, feat, ones_hbm, zeros_h)


def _matmul_stats(Cm, embed):
    def body(c_ref, e_ref, h_ref, st_ref):
        i = pl.program_id(0)
        h = jnp.dot(c_ref[...], e_ref[...],
                    preferred_element_type=jnp.float32)
        h_ref[...] = h
        part = jnp.concatenate(
            [jnp.sum(h, axis=0, keepdims=True),
             jnp.sum(h * h, axis=0, keepdims=True),
             jnp.zeros((6, OUT_FEAT), jnp.float32)], axis=0)

        @pl.when(i == 0)
        def _():
            st_ref[...] = jnp.zeros((8, OUT_FEAT), jnp.float32)

        st_ref[...] += part

    return pl.pallas_call(
        body,
        grid=(HROWS // RBM,),
        in_specs=[pl.BlockSpec((RBM, CW), lambda i: (i, 0)),
                  pl.BlockSpec((CW, OUT_FEAT), lambda i: (0, 0))],
        out_specs=[pl.BlockSpec((RBM, OUT_FEAT), lambda i: (i, 0)),
                   pl.BlockSpec((8, OUT_FEAT), lambda i: (0, 0))],
        out_shape=[jax.ShapeDtypeStruct((HROWS, OUT_FEAT), jnp.float32),
                   jax.ShapeDtypeStruct((8, OUT_FEAT), jnp.float32)],
    )(Cm, embed)


def _bn(hsum, stats, gamma, beta):
    def body(h_ref, st_ref, g_ref, b_ref, o_ref):
        mean = st_ref[0:1] * (1.0 / N_NODES)
        ex2 = st_ref[1:2] * (1.0 / N_NODES)
        var = ex2 - mean * mean
        inv = lax.rsqrt(var + 1e-5)
        o_ref[...] = (h_ref[...] - mean) * inv * g_ref[...] + b_ref[...]

    return pl.pallas_call(
        body,
        grid=(HROWS // RBM,),
        in_specs=[pl.BlockSpec((RBM, OUT_FEAT), lambda i: (i, 0)),
                  pl.BlockSpec((8, OUT_FEAT), lambda i: (0, 0)),
                  pl.BlockSpec((1, OUT_FEAT), lambda i: (0, 0)),
                  pl.BlockSpec((1, OUT_FEAT), lambda i: (0, 0))],
        out_specs=pl.BlockSpec((RBM, OUT_FEAT), lambda i: (i, 0)),
        out_shape=jax.ShapeDtypeStruct((HROWS, OUT_FEAT), jnp.float32),
    )(hsum, stats, gamma, beta)


def kernel(features, edge_index, rel_type, weight, w_comp, bn_gamma, bn_beta):
    feat = features.astype(jnp.int32)
    src = edge_index[0].astype(jnp.int32)
    base = (edge_index[1].astype(jnp.int32) * CW
            + rel_type.astype(jnp.int32) * IN_FEAT)

    k = jnp.arange(NUM_RELS * IN_FEAT)
    r = k // IN_FEAT
    f = k % IN_FEAT
    i = 16 * r + f // 8
    j = f % 8
    S = jnp.zeros((NUM_RELS * IN_FEAT, NUM_BASES * IN_FEAT), jnp.float32)
    cols = i[:, None] * NUM_BASES + jnp.arange(NUM_BASES)[None, :]
    S = S.at[k[:, None], cols].set(w_comp[j])

    embed = _embed_matmul(
        S, weight.reshape(NUM_BASES * IN_FEAT, OUT_FEAT).astype(jnp.float32))

    ones_hbm = jnp.ones((CHK,), jnp.float32)
    zeros_h = jnp.zeros((ZR * CW,), jnp.float32)
    counts = _sc_counts(src, base, feat, ones_hbm, zeros_h)
    hsum, stats = _matmul_stats(counts.reshape(HROWS, CW), embed)
    h = _bn(hsum, stats, bn_gamma.reshape(1, OUT_FEAT),
            bn_beta.reshape(1, OUT_FEAT))
    return h[:N_NODES]

# --- scband reference (transcript-rebuilt; emitter-appended) ---
"""Pipeline reference for scband-rgcnlayer-84662395339200 (READ-ONLY COPY).

The authoritative reference and input builder live on the scoring server;
editing this copy changes nothing except your own understanding.
"""

import jax, jax.numpy as jnp
import numpy as np

IN_FEAT = 128
OUT_FEAT = 128
NUM_RELS = 8
NUM_BASES = 4
N_NODES = 10000
N_EDGES = 320000

def setup_inputs(seed: int = 0) -> dict:
    key = jax.random.key(seed)
    k1, k2, k3, k4, k5 = jax.random.split(key, 5)
    features = jax.random.randint(k1, (N_NODES,), 0, IN_FEAT, dtype=jnp.int64 if jax.config.jax_enable_x64 else jnp.int32)
    edge_index = jax.random.randint(k2, (2, N_EDGES), 0, N_NODES)
    rel_type = jax.random.randint(k3, (N_EDGES,), 0, NUM_RELS)
    # xavier_uniform over (num_bases, in_feat, out_feat): gain for leaky_relu(0.2)
    gain = float(np.sqrt(2.0 / (1.0 + 0.2 ** 2)))
    bound_w = gain * np.sqrt(6.0 / (IN_FEAT + OUT_FEAT))
    weight = jax.random.uniform(k4, (NUM_BASES, IN_FEAT, OUT_FEAT), minval=-bound_w, maxval=bound_w, dtype=jnp.float32)
    bound_c = gain * np.sqrt(6.0 / (NUM_RELS + NUM_BASES))
    w_comp = jax.random.uniform(k5, (NUM_RELS, NUM_BASES), minval=-bound_c, maxval=bound_c, dtype=jnp.float32)
    bn_gamma = jnp.ones((IN_FEAT,), dtype=jnp.float32)
    bn_beta = jnp.zeros((IN_FEAT,), dtype=jnp.float32)
    return {"features": features, "edge_index": edge_index, "rel_type": rel_type,
            "weight": weight, "w_comp": w_comp, "bn_gamma": bn_gamma, "bn_beta": bn_beta}

def reference(features, edge_index, rel_type, weight, w_comp, bn_gamma, bn_beta):
    # basis decomposition: num_bases < num_rels
    w = weight.reshape(IN_FEAT, NUM_BASES, OUT_FEAT)          # torch .view semantics
    w = jnp.matmul(w_comp, w)                                  # (IN_FEAT, NUM_RELS, OUT_FEAT)
    w = w.reshape(NUM_RELS, IN_FEAT, OUT_FEAT)
    # is_input_layer=True message: pure embedding gather
    embed = w.reshape(-1, OUT_FEAT)                            # (NUM_RELS*IN_FEAT, OUT_FEAT)
    src = edge_index[0]
    dst = edge_index[1]
    index = rel_type * IN_FEAT + features[src]
    msg = jnp.take(embed, index, axis=0)                       # (E, OUT_FEAT)
    # fn.sum aggregation at destination nodes
    h = jax.ops.segment_sum(msg, dst, num_segments=N_NODES)    # (N, OUT_FEAT)
    # apply_func: BatchNorm1d (training-mode batch statistics); bias=None, activation=None
    mean = jnp.mean(h, axis=0)
    var = jnp.var(h, axis=0)
    h = (h - mean) / jnp.sqrt(var + 1e-5) * bn_gamma + bn_beta
    return h

if __name__ == "__main__":
    import jax
    _d = setup_inputs()
    print(jax.jit(kernel)(*tuple(_d.values())))

</pallas_src>

<mosaic_0001>
#map = affine_map<(d0, d1) -> (0)>
module attributes {stable_mosaic.version = 14 : i64} {
  func.func @k(%arg0: i32, %arg1: i32, %arg2: memref<320000xi32, #tpu.memory_space<hbm>>, %arg3: memref<320000xi32, #tpu.memory_space<hbm>>, %arg4: memref<10000xi32, #tpu.memory_space<hbm>>, %arg5: memref<2000xf32, #tpu.memory_space<hbm>>, %arg6: memref<67584xf32, #tpu.memory_space<hbm>>, %arg7: memref<10649600xf32, #tpu.memory_space<hbm>>, %arg8: memref<20000xi32, #tpu.memory_space<vmem>>, %arg9: memref<20000xi32, #tpu.memory_space<vmem>>, %arg10: memref<20000xi32, #tpu.memory_space<vmem>>, %arg11: memref<2000xf32, #tpu.memory_space<vmem>>, %arg12: memref<1081344xf32, #tpu.memory_space<vmem_shared>>, %arg13: memref<!tpu.dma_semaphore, #tpu.memory_space<semaphore_mem>>, %arg14: memref<!tpu.dma_semaphore, #tpu.memory_space<semaphore_mem>>, %arg15: memref<!tpu.dma_semaphore, #tpu.memory_space<semaphore_mem>>, %arg16: memref<!tpu.dma_semaphore, #tpu.memory_space<semaphore_mem>>) attributes {dimension_semantics = [#tpu.dimension_semantics<core_parallel>, #tpu.dimension_semantics<subcore_parallel>], iteration_bounds = array<i64: 2, 16>, scalar_prefetch = 0 : i64, scratch_operands = 9 : i64, tpu.core_type = #tpu.core_type<sc_vector_subcore>, window_params = [{transform_indices = #map}, {transform_indices = #map}, {transform_indices = #map}, {transform_indices = #map}, {transform_indices = #map}, {transform_indices = #map}]} {
    %mul3A = arith.constant 20000 : i32
    %mul3A_0 = arith.muli %mul3A, %arg1 : i32
    %dma_start3A = tpu.memref_slice %arg2[%mul3A_0] : memref<320000xi32, #tpu.memory_space<hbm>> -> memref<20000xi32, #tpu.memory_space<hbm>>
    %dma_start3A_1 = tpu.memref_slice %arg2[%mul3A_0] : memref<320000xi32, #tpu.memory_space<hbm>> -> memref<20000xi32, #tpu.memory_space<hbm>>
    tpu.enqueue_dma source(%dma_start3A_1 : memref<20000xi32, #tpu.memory_space<hbm>>) target(%arg8 : memref<20000xi32, #tpu.memory_space<vmem>>) target_semaphore(%arg13 : memref<!tpu.dma_semaphore, #tpu.memory_space<semaphore_mem>>)
    %dma_start3A_2 = tpu.memref_slice %arg3[%mul3A_0] : memref<320000xi32, #tpu.memory_space<hbm>> -> memref<20000xi32, #tpu.memory_space<hbm>>
    %dma_start3A_3 = tpu.memref_slice %arg3[%mul3A_0] : memref<320000xi32, #tpu.memory_space<hbm>> -> memref<20000xi32, #tpu.memory_space<hbm>>
    tpu.enqueue_dma source(%dma_start3A_3 : memref<20000xi32, #tpu.memory_space<hbm>>) target(%arg9 : memref<20000xi32, #tpu.memory_space<vmem>>) target_semaphore(%arg13 : memref<!tpu.dma_semaphore, #tpu.memory_space<semaphore_mem>>)
    tpu.enqueue_dma source(%arg5 : memref<2000xf32, #tpu.memory_space<hbm>>) target(%arg11 : memref<2000xf32, #tpu.memory_space<vmem>>) target_semaphore(%arg13 : memref<!tpu.dma_semaphore, #tpu.memory_space<semaphore_mem>>)
    %dma_wait3A = tpu.memref_slice %arg2[%mul3A_0] : memref<320000xi32, #tpu.memory_space<hbm>> -> memref<20000xi32, #tpu.memory_space<hbm>>
    %dma_wait3A_4 = tpu.memref_slice %arg2[%mul3A_0] : memref<320000xi32, #tpu.memory_space<hbm>> -> memref<20000xi32, #tpu.memory_space<hbm>>
    tpu.wait_dma2 semaphore(%arg13 : memref<!tpu.dma_semaphore, #tpu.memory_space<semaphore_mem>>) src(%dma_wait3A_4 : memref<20000xi32, #tpu.memory_space<hbm>>) dst(%arg8 : memref<20000xi32, #tpu.memory_space<vmem>>)
    %dma_wait3A_5 = tpu.memref_slice %arg3[%mul3A_0] : memref<320000xi32, #tpu.memory_space<hbm>> -> memref<20000xi32, #tpu.memory_space<hbm>>
    %dma_wait3A_6 = tpu.memref_slice %arg3[%mul3A_0] : memref<320000xi32, #tpu.memory_space<hbm>> -> memref<20000xi32, #tpu.memory_space<hbm>>
    tpu.wait_dma2 semaphore(%arg13 : memref<!tpu.dma_semaphore, #tpu.memory_space<semaphore_mem>>) src(%dma_wait3A_6 : memref<20000xi32, #tpu.memory_space<hbm>>) dst(%arg9 : memref<20000xi32, #tpu.memory_space<vmem>>)
    tpu.wait_dma2 semaphore(%arg13 : memref<!tpu.dma_semaphore, #tpu.memory_space<semaphore_mem>>) src(%arg5 : memref<2000xf32, #tpu.memory_space<hbm>>) dst(%arg11 : memref<2000xf32, #tpu.memory_space<vmem>>)
    %dma_start3A_7 = arith.constant 0 : i32
    %dma_start3A_8 = tpu.memref_slice %arg4[%dma_start3A_7] : memref<10000xi32, #tpu.memory_space<hbm>> -> memref<10000xi32, #tpu.memory_space<hbm>>
    tpu.enqueue_indirect_dma source(%dma_start3A_8 : memref<10000xi32, #tpu.memory_space<hbm>>) target(%arg10 : memref<20000xi32, #tpu.memory_space<vmem>>) offsets(%arg8 : memref<20000xi32, #tpu.memory_space<vmem>>) semaphore(%arg14 : memref<!tpu.dma_semaphore, #tpu.memory_space<semaphore_mem>>)
    %dma_wait3A_9 = arith.constant 0 : i32
    %dma_wait3A_10 = tpu.memref_slice %arg4[%dma_wait3A_9] : memref<10000xi32, #tpu.memory_space<hbm>> -> memref<10000xi32, #tpu.memory_space<hbm>>
    tpu.wait_indirect_dma semaphore(%arg14 : memref<!tpu.dma_semaphore, #tpu.memory_space<semaphore_mem>>) src(%dma_wait3A_10 : memref<10000xi32, #tpu.memory_space<hbm>>) dst(%arg10 : memref<20000xi32, #tpu.memory_space<vmem>>)
    %scan3A = arith.constant 0 : i32
    %scan3A_11 = arith.constant 0 : i32
    %scan3A_12 = arith.constant 1250 : i32
    %scan3A_13 = arith.addi %scan3A_11, %scan3A_12 : i32
    %scan3A_14 = arith.constant 1 : i32
    scf.for %scan3A_599 = %scan3A_11 to %scan3A_13 step %scan3A_14  : i32 {
      %mul3A_600 = arith.constant 16 : i32
      %mul3A_601 = arith.muli %scan3A_599, %mul3A_600 : i32
      %get3A = arith.index_cast %mul3A_601 : i32 to index
      %get3A_602 = tpu.vector_load %arg9[%get3A] {strides = array<i32>} : memref<20000xi32, #tpu.memory_space<vmem>>, vector<16xi32>,
      %get3A_603 = vector.shape_cast %get3A_602 : vector<16xi32> to vector<16xi32>
      %get3A_604 = arith.index_cast %mul3A_601 : i32 to index
      %get3A_605 = tpu.vector_load %arg10[%get3A_604] {strides = array<i32>} : memref<20000xi32, #tpu.memory_space<vmem>>, vector<16xi32>,
      %get3A_606 = vector.shape_cast %get3A_605 : vector<16xi32> to vector<16xi32>
      %add3A_607 = arith.addi %get3A_603, %get3A_606 : vector<16xi32>
      %swap3A = arith.index_cast %mul3A_601 : i32 to index
      %swap3A_608 = tpu.vector_load %arg9[%swap3A] {strides = array<i32>} : memref<20000xi32, #tpu.memory_space<vmem>>, vector<16xi32>,
      %swap3A_609 = vector.shape_cast %swap3A_608 : vector<16xi32> to vector<16xi32>
      %swap3A_610 = vector.shape_cast %add3A_607 : vector<16xi32> to vector<16xi32>
      tpu.vector_store %arg9[%swap3A], %swap3A_610 {strides = array<i32>} : memref<20000xi32, #tpu.memory_space<vmem>>, vector<16xi32>,
    }
    %scan3A_15 = arith.constant 1250 : i32
    %mul3A_16 = arith.constant 5 : i32
    %mul3A_17 = arith.muli %arg0, %mul3A_16 : i32
    %add3A = arith.constant 0 : i32
    %add3A_18 = arith.addi %mul3A_17, %add3A : i32
    %mul3A_19 = arith.constant 1040 : i32
    %mul3A_20 = arith.muli %add3A_18, %mul3A_19 : i32
    %mul3A_21 = arith.constant 1024 : i32
    %mul3A_22 = arith.muli %mul3A_20, %mul3A_21 : i32
    %mul3A_23 = arith.constant 66 : i32
    %mul3A_24 = arith.muli %arg1, %mul3A_23 : i32
    %mul3A_25 = arith.constant 1024 : i32
    %mul3A_26 = arith.muli %mul3A_24, %mul3A_25 : i32
    %dma_start3A_27 = tpu.memref_slice %arg12[%mul3A_26] : memref<1081344xf32, #tpu.memory_space<vmem_shared>> -> memref<67584xf32, #tpu.memory_space<vmem_shared>>
    tpu.enqueue_dma source(%arg6 : memref<67584xf32, #tpu.memory_space<hbm>>) target(%dma_start3A_27 : memref<67584xf32, #tpu.memory_space<vmem_shared>>) target_semaphore(%arg15 : memref<!tpu.dma_semaphore, #tpu.memory_space<semaphore_mem>>)
    %scan3A_28 = arith.constant 0 : i32
    %scan3A_29 = arith.constant 0 : i32
    %scan3A_30 = arith.constant 1250 : i32
    %scan3A_31 = arith.addi %scan3A_29, %scan3A_30 : i32
    %scan3A_32 = arith.constant 1 : i32
    scf.for %scan3A_599 = %scan3A_29 to %scan3A_31 step %scan3A_32  : i32 {
      %mul3A_600 = arith.constant 16 : i32
      %mul3A_601 = arith.muli %scan3A_599, %mul3A_600 : i32
      %get3A = arith.index_cast %mul3A_601 : i32 to index
      %get3A_602 = tpu.vector_load %arg9[%get3A] {strides = array<i32>} : memref<20000xi32, #tpu.memory_space<vmem>>, vector<16xi32>,
      %get3A_603 = vector.shape_cast %get3A_602 : vector<16xi32> to vector<16xi32>
      %sub3A = vector.broadcast %mul3A_22 : i32 to vector<16xi32>
      %sub3A_604 = arith.subi %get3A_603, %sub3A : vector<16xi32>
      %get3A_605 = arith.index_cast %mul3A_601 : i32 to index
      %get3A_606 = tpu.vector_load %arg9[%get3A_605] {strides = array<i32>} : memref<20000xi32, #tpu.memory_space<vmem>>, vector<16xi32>,
      %get3A_607 = vector.shape_cast %get3A_606 : vector<16xi32> to vector<16xi32>
      %and3A = arith.constant 1023 : i32
      %and3A_608 = vector.broadcast %and3A : i32 to vector<16xi32>
      %and3A_609 = arith.andi %get3A_607, %and3A_608 : vector<16xi32>
      %add3A_610 = arith.constant 1064960 : i32
      %add3A_611 = vector.broadcast %add3A_610 : i32 to vector<16xi32>
      %add3A_612 = arith.addi %add3A_611, %and3A_609 : vector<16xi32>
      %ge3A = arith.constant 0 : i32
      %ge3A_613 = vector.broadcast %ge3A : i32 to vector<16xi32>
      %ge3A_614 = arith.cmpi sge, %sub3A_604, %ge3A_613 : vector<16xi32>
      %lt3A = arith.constant 1064960 : i32
      %lt3A_615 = vector.broadcast %lt3A : i32 to vector<16xi32>
      %lt3A_616 = arith.cmpi slt, %sub3A_604, %lt3A_615 : vector<16xi32>
      %and3A_617 = arith.andi %ge3A_614, %lt3A_616 : vector<16xi1>
      %select_n3A = arith.select %and3A_617, %sub3A_604, %add3A_612 : vector<16xi1>, vector<16xi32>
      %swap3A = arith.index_cast %mul3A_601 : i32 to index
      %swap3A_618 = tpu.vector_load %arg10[%swap3A] {strides = array<i32>} : memref<20000xi32, #tpu.memory_space<vmem>>, vector<16xi32>,
      %swap3A_619 = vector.shape_cast %swap3A_618 : vector<16xi32> to vector<16xi32>
      %swap3A_620 = vector.shape_cast %select_n3A : vector<16xi32> to vector<16xi32>
      tpu.vector_store %arg10[%swap3A], %swap3A_620 {strides = array<i32>} : memref<20000xi32, #tpu.memory_space<vmem>>, vector<16xi32>,
    }
    %scan3A_33 = arith.constant 1250 : i32
    %dma_wait3A_34 = arith.constant 0 : i32
    %dma_wait3A_35 = tpu.memref_slice %arg12[%dma_wait3A_34] : memref<1081344xf32, #tpu.memory_space<vmem_shared>> -> memref<67584xf32, #tpu.memory_space<vmem_shared>>
    tpu.wait_dma2 semaphore(%arg15 : memref<!tpu.dma_semaphore, #tpu.memory_space<semaphore_mem>>) src(%arg6 : memref<67584xf32, #tpu.memory_space<hbm>>) dst(%dma_wait3A_35 : memref<67584xf32, #tpu.memory_space<vmem_shared>>)
    %barrier3A = arith.constant 0 : index
    tpu.barrier barrier_id(%barrier3A)
    %dma_start3A_36 = arith.constant 0 : i32
    %dma_start3A_37 = tpu.memref_slice %arg10[%dma_start3A_36] : memref<20000xi32, #tpu.memory_space<vmem>> -> memref<2000xi32, #tpu.memory_space<vmem>>
    %dma_start3A_38 = arith.constant 0 : i32
    %dma_start3A_39 = tpu.memref_slice %arg12[%dma_start3A_38] : memref<1081344xf32, #tpu.memory_space<vmem_shared>> -> memref<1081344xf32, #tpu.memory_space<vmem_shared>>
    tpu.enqueue_indirect_dma source(%arg11 : memref<2000xf32, #tpu.memory_space<vmem>>) target(%dma_start3A_39 : memref<1081344xf32, #tpu.memory_space<vmem_shared>>) offsets(%dma_start3A_37 : memref<2000xi32, #tpu.memory_space<vmem>>) semaphore(%arg16 : memref<!tpu.dma_semaphore, #tpu.memory_space<semaphore_mem>>) {add = true}
    %dma_start3A_40 = arith.constant 2000 : i32
    %dma_start3A_41 = tpu.memref_slice %arg10[%dma_start3A_40] : memref<20000xi32, #tpu.memory_space<vmem>> -> memref<2000xi32, #tpu.memory_space<vmem>>
    %dma_start3A_42 = arith.constant 0 : i32
    %dma_start3A_43 = tpu.memref_slice %arg12[%dma_start3A_42] : memref<1081344xf32, #tpu.memory_space<vmem_shared>> -> memref<1081344xf32, #tpu.memory_space<vmem_shared>>
    tpu.enqueue_indirect_dma source(%arg11 : memref<2000xf32, #tpu.memory_space<vmem>>) target(%dma_start3A_43 : memref<1081344xf32, #tpu.memory_space<vmem_shared>>) offsets(%dma_start3A_41 : memref<2000xi32, #tpu.memory_space<vmem>>) semaphore(%arg16 : memref<!tpu.dma_semaphore, #tpu.memory_space<semaphore_mem>>) {add = true}
    %dma_start3A_44 = arith.constant 4000 : i32
    %dma_start3A_45 = tpu.memref_slice %arg10[%dma_start3A_44] : memref<20000xi32, #tpu.memory_space<vmem>> -> memref<2000xi32, #tpu.memory_space<vmem>>
    %dma_start3A_46 = arith.constant 0 : i32
    %dma_start3A_47 = tpu.memref_slice %arg12[%dma_start3A_46] : memref<1081344xf32, #tpu.memory_space<vmem_shared>> -> memref<1081344xf32, #tpu.memory_space<vmem_shared>>
    tpu.enqueue_indirect_dma source(%arg11 : memref<2000xf32, #tpu.memory_space<vmem>>) target(%dma_start3A_47 : memref<1081344xf32, #tpu.memory_space<vmem_shared>>) offsets(%dma_start3A_45 : memref<2000xi32, #tpu.memory_space<vmem>>) semaphore(%arg16 : memref<!tpu.dma_semaphore, #tpu.memory_space<semaphore_mem>>) {add = true}
    %dma_start3A_48 = arith.constant 6000 : i32
    %dma_start3A_49 = tpu.memref_slice %arg10[%dma_start3A_48] : memref<20000xi32, #tpu.memory_space<vmem>> -> memref<2000xi32, #tpu.memory_space<vmem>>
    %dma_start3A_50 = arith.constant 0 : i32
    %dma_start3A_51 = tpu.memref_slice %arg12[%dma_start3A_50] : memref<1081344xf32, #tpu.memory_space<vmem_shared>> -> memref<1081344xf32, #tpu.memory_space<vmem_shared>>
    tpu.enqueue_indirect_dma source(%arg11 : memref<2000xf32, #tpu.memory_space<vmem>>) target(%dma_start3A_51 : memref<1081344xf32, #tpu.memory_space<vmem_shared>>) offsets(%dma_start3A_49 : memref<2000xi32, #tpu.memory_space<vmem>>) semaphore(%arg16 : memref<!tpu.dma_semaphore, #tpu.memory_space<semaphore_mem>>) {add = true}
    %dma_wait3A_52 = arith.constant 0 : i32
    %dma_wait3A_53 = tpu.memref_slice %arg12[%dma_wait3A_52] : memref<1081344xf32, #tpu.memory_space<vmem_shared>> -> memref<2000xf32, #tpu.memory_space<vmem_shared>>
    %dma_wait3A_54 = arith.constant 0 : i32
    %dma_wait3A_55 = tpu.memref_slice %arg12[%dma_wait3A_54] : memref<1081344xf32, #tpu.memory_space<vmem_shared>> -> memref<2000xf32, #tpu.memory_space<vmem_shared>>
    tpu.wait_dma2 semaphore(%arg16 : memref<!tpu.dma_semaphore, #tpu.memory_space<semaphore_mem>>) src(%arg11 : memref<2000xf32, #tpu.memory_space<vmem>>) dst(%dma_wait3A_55 : memref<2000xf32, #tpu.memory_space<vmem_shared>>)
    %dma_start3A_56 = arith.constant 8000 : i32
    %dma_start3A_57 = tpu.memref_slice %arg10[%dma_start3A_56] : memref<20000xi32, #tpu.memory_space<vmem>> -> memref<2000xi32, #tpu.memory_space<vmem>>
    %dma_start3A_58 = arith.constant 0 : i32
    %dma_start3A_59 = tpu.memref_slice %arg12[%dma_start3A_58] : memref<1081344xf32, #tpu.memory_space<vmem_shared>> -> memref<1081344xf32, #tpu.memory_space<vmem_shared>>
    tpu.enqueue_indirect_dma source(%arg11 : memref<2000xf32, #tpu.memory_space<vmem>>) target(%dma_start3A_59 : memref<1081344xf32, #tpu.memory_space<vmem_shared>>) offsets(%dma_start3A_57 : memref<2000xi32, #tpu.memory_space<vmem>>) semaphore(%arg16 : memref<!tpu.dma_semaphore, #tpu.memory_space<semaphore_mem>>) {add = true}
    %dma_wait3A_60 = arith.constant 0 : i32
    %dma_wait3A_61 = tpu.memref_slice %arg12[%dma_wait3A_60] : memref<1081344xf32, #tpu.memory_space<vmem_shared>> -> memref<2000xf32, #tpu.memory_space<vmem_shared>>
    %dma_wait3A_62 = arith.constant 0 : i32
    %dma_wait3A_63 = tpu.memref_slice %arg12[%dma_wait3A_62] : memref<1081344xf32, #tpu.memory_space<vmem_shared>> -> memref<2000xf32, #tpu.memory_space<vmem_shared>>
    tpu.wait_dma2 semaphore(%arg16 : memref<!tpu.dma_semaphore, #tpu.memory_space<semaphore_mem>>) src(%arg11 : memref<2000xf32, #tpu.memory_space<vmem>>) dst(%dma_wait3A_63 : memref<2000xf32, #tpu.memory_space<vmem_shared>>)
    %dma_start3A_64 = arith.constant 10000 : i32
    %dma_start3A_65 = tpu.memref_slice %arg10[%dma_start3A_64] : memref<20000xi32, #tpu.memory_space<vmem>> -> memref<2000xi32, #tpu.memory_space<vmem>>
    %dma_start3A_66 = arith.constant 0 : i32
    %dma_start3A_67 = tpu.memref_slice %arg12[%dma_start3A_66] : memref<1081344xf32, #tpu.memory_space<vmem_shared>> -> memref<1081344xf32, #tpu.memory_space<vmem_shared>>
    tpu.enqueue_indirect_dma source(%arg11 : memref<2000xf32, #tpu.memory_space<vmem>>) target(%dma_start3A_67 : memref<1081344xf32, #tpu.memory_space<vmem_shared>>) offsets(%dma_start3A_65 : memref<2000xi32, #tpu.memory_space<vmem>>) semaphore(%arg16 : memref<!tpu.dma_semaphore, #tpu.memory_space<semaphore_mem>>) {add = true}
    %dma_wait3A_68 = arith.constant 0 : i32
    %dma_wait3A_69 = tpu.memref_slice %arg12[%dma_wait3A_68] : memref<1081344xf32, #tpu.memory_space<vmem_shared>> -> memref<2000xf32, #tpu.memory_space<vmem_shared>>
    %dma_wait3A_70 = arith.constant 0 : i32
    %dma_wait3A_71 = tpu.memref_slice %arg12[%dma_wait3A_70] : memref<1081344xf32, #tpu.memory_space<vmem_shared>> -> memref<2000xf32, #tpu.memory_space<vmem_shared>>
    tpu.wait_dma2 semaphore(%arg16 : memref<!tpu.dma_semaphore, #tpu.memory_space<semaphore_mem>>) src(%arg11 : memref<2000xf32, #tpu.memory_space<vmem>>) dst(%dma_wait3A_71 : memref<2000xf32, #tpu.memory_space<vmem_shared>>)
    %dma_start3A_72 = arith.constant 12000 : i32
    %dma_start3A_73 = tpu.memref_slice %arg10[%dma_start3A_72] : memref<20000xi32, #tpu.memory_space<vmem>> -> memref<2000xi32, #tpu.memory_space<vmem>>
    %dma_start3A_74 = arith.constant 0 : i32
    %dma_start3A_75 = tpu.memref_slice %arg12[%dma_start3A_74] : memref<1081344xf32, #tpu.memory_space<vmem_shared>> -> memref<1081344xf32, #tpu.memory_space<vmem_shared>>
    tpu.enqueue_indirect_dma source(%arg11 : memref<2000xf32, #tpu.memory_space<vmem>>) target(%dma_start3A_75 : memref<1081344xf32, #tpu.memory_space<vmem_shared>>) offsets(%dma_start3A_73 : memref<2000xi32, #tpu.memory_space<vmem>>) semaphore(%arg16 : memref<!tpu.dma_semaphore, #tpu.memory_space<semaphore_mem>>) {add = true}
    %dma_wait3A_76 = arith.constant 0 : i32
    %dma_wait3A_77 = tpu.memref_slice %arg12[%dma_wait3A_76] : memref<1081344xf32, #tpu.memory_space<vmem_shared>> -> memref<2000xf32, #tpu.memory_space<vmem_shared>>
    %dma_wait3A_78 = arith.constant 0 : i32
    %dma_wait3A_79 = tpu.memref_slice %arg12[%dma_wait3A_78] : memref<1081344xf32, #tpu.memory_space<vmem_shared>> -> memref<2000xf32, #tpu.memory_space<vmem_shared>>
    tpu.wait_dma2 semaphore(%arg16 : memref<!tpu.dma_semaphore, #tpu.memory_space<semaphore_mem>>) src(%arg11 : memref<2000xf32, #tpu.memory_space<vmem>>) dst(%dma_wait3A_79 : memref<2000xf32, #tpu.memory_space<vmem_shared>>)
    %dma_start3A_80 = arith.constant 14000 : i32
    %dma_start3A_81 = tpu.memref_slice %arg10[%dma_start3A_80] : memref<20000xi32, #tpu.memory_space<vmem>> -> memref<2000xi32, #tpu.memory_space<vmem>>
    %dma_start3A_82 = arith.constant 0 : i32
    %dma_start3A_83 = tpu.memref_slice %arg12[%dma_start3A_82] : memref<1081344xf32, #tpu.memory_space<vmem_shared>> -> memref<1081344xf32, #tpu.memory_space<vmem_shared>>
    tpu.enqueue_indirect_dma source(%arg11 : memref<2000xf32, #tpu.memory_space<vmem>>) target(%dma_start3A_83 : memref<1081344xf32, #tpu.memory_space<vmem_shared>>) offsets(%dma_start3A_81 : memref<2000xi32, #tpu.memory_space<vmem>>) semaphore(%arg16 : memref<!tpu.dma_semaphore, #tpu.memory_space<semaphore_mem>>) {add = true}
    %dma_wait3A_84 = arith.constant 0 : i32
    %dma_wait3A_85 = tpu.memref_slice %arg12[%dma_wait3A_84] : memref<1081344xf32, #tpu.memory_space<vmem_shared>> -> memref<2000xf32, #tpu.memory_space<vmem_shared>>
    %dma_wait3A_86 = arith.constant 0 : i32
    %dma_wait3A_87 = tpu.memref_slice %arg12[%dma_wait3A_86] : memref<1081344xf32, #tpu.memory_space<vmem_shared>> -> memref<2000xf32, #tpu.memory_space<vmem_shared>>
    tpu.wait_dma2 semaphore(%arg16 : memref<!tpu.dma_semaphore, #tpu.memory_space<semaphore_mem>>) src(%arg11 : memref<2000xf32, #tpu.memory_space<vmem>>) dst(%dma_wait3A_87 : memref<2000xf32, #tpu.memory_space<vmem_shared>>)
    %dma_start3A_88 = arith.constant 16000 : i32
    %dma_start3A_89 = tpu.memref_slice %arg10[%dma_start3A_88] : memref<20000xi32, #tpu.memory_space<vmem>> -> memref<2000xi32, #tpu.memory_space<vmem>>
    %dma_start3A_90 = arith.constant 0 : i32
    %dma_start3A_91 = tpu.memref_slice %arg12[%dma_start3A_90] : memref<1081344xf32, #tpu.memory_space<vmem_shared>> -> memref<1081344xf32, #tpu.memory_space<vmem_shared>>
    tpu.enqueue_indirect_dma source(%arg11 : memref<2000xf32, #tpu.memory_space<vmem>>) target(%dma_start3A_91 : memref<1081344xf32, #tpu.memory_space<vmem_shared>>) offsets(%dma_start3A_89 : memref<2000xi32, #tpu.memory_space<vmem>>) semaphore(%arg16 : memref<!tpu.dma_semaphore, #tpu.memory_space<semaphore_mem>>) {add = true}
    %dma_wait3A_92 = arith.constant 0 : i32
    %dma_wait3A_93 = tpu.memref_slice %arg12[%dma_wait3A_92] : memref<1081344xf32, #tpu.memory_space<vmem_shared>> -> memref<2000xf32, #tpu.memory_space<vmem_shared>>
    %dma_wait3A_94 = arith.constant 0 : i32
    %dma_wait3A_95 = tpu.memref_slice %arg12[%dma_wait3A_94] : memref<1081344xf32, #tpu.memory_space<vmem_shared>> -> memref<2000xf32, #tpu.memory_space<vmem_shared>>
    tpu.wait_dma2 semaphore(%arg16 : memref<!tpu.dma_semaphore, #tpu.memory_space<semaphore_mem>>) src(%arg11 : memref<2000xf32, #tpu.memory_space<vmem>>) dst(%dma_wait3A_95 : memref<2000xf32, #tpu.memory_space<vmem_shared>>)
    %dma_start3A_96 = arith.constant 18000 : i32
    %dma_start3A_97 = tpu.memref_slice %arg10[%dma_start3A_96] : memref<20000xi32, #tpu.memory_space<vmem>> -> memref<2000xi32, #tpu.memory_space<vmem>>
    %dma_start3A_98 = arith.constant 0 : i32
    %dma_start3A_99 = tpu.memref_slice %arg12[%dma_start3A_98] : memref<1081344xf32, #tpu.memory_space<vmem_shared>> -> memref<1081344xf32, #tpu.memory_space<vmem_shared>>
    tpu.enqueue_indirect_dma source(%arg11 : memref<2000xf32, #tpu.memory_space<vmem>>) target(%dma_start3A_99 : memref<1081344xf32, #tpu.memory_space<vmem_shared>>) offsets(%dma_start3A_97 : memref<2000xi32, #tpu.memory_space<vmem>>) semaphore(%arg16 : memref<!tpu.dma_semaphore, #tpu.memory_space<semaphore_mem>>) {add = true}
    %dma_wait3A_100 = arith.constant 0 : i32
    %dma_wait3A_101 = tpu.memref_slice %arg12[%dma_wait3A_100] : memref<1081344xf32, #tpu.memory_space<vmem_shared>> -> memref<2000xf32, #tpu.memory_space<vmem_shared>>
    %dma_wait3A_102 = arith.constant 0 : i32
    %dma_wait3A_103 = tpu.memref_slice %arg12[%dma_wait3A_102] : memref<1081344xf32, #tpu.memory_space<vmem_shared>> -> memref<2000xf32, #tpu.memory_space<vmem_shared>>
    tpu.wait_dma2 semaphore(%arg16 : memref<!tpu.dma_semaphore, #tpu.memory_space<semaphore_mem>>) src(%arg11 : memref<2000xf32, #tpu.memory_space<vmem>>) dst(%dma_wait3A_103 : memref<2000xf32, #tpu.memory_space<vmem_shared>>)
    %dma_wait3A_104 = arith.constant 0 : i32
    %dma_wait3A_105 = tpu.memref_slice %arg12[%dma_wait3A_104] : memref<1081344xf32, #tpu.memory_space<vmem_shared>> -> memref<2000xf32, #tpu.memory_space<vmem_shared>>
    %dma_wait3A_106 = arith.constant 0 : i32
    %dma_wait3A_107 = tpu.memref_slice %arg12[%dma_wait3A_106] : memref<1081344xf32, #tpu.memory_space<vmem_shared>> -> memref<2000xf32, #tpu.memory_space<vmem_shared>>
    tpu.wait_dma2 semaphore(%arg16 : memref<!tpu.dma_semaphore, #tpu.memory_space<semaphore_mem>>) src(%arg11 : memref<2000xf32, #tpu.memory_space<vmem>>) dst(%dma_wait3A_107 : memref<2000xf32, #tpu.memory_space<vmem_shared>>)
    %dma_wait3A_108 = arith.constant 0 : i32
    %dma_wait3A_109 = tpu.memref_slice %arg12[%dma_wait3A_108] : memref<1081344xf32, #tpu.memory_space<vmem_shared>> -> memref<2000xf32, #tpu.memory_space<vmem_shared>>
    %dma_wait3A_110 = arith.constant 0 : i32
    %dma_wait3A_111 = tpu.memref_slice %arg12[%dma_wait3A_110] : memref<1081344xf32, #tpu.memory_space<vmem_shared>> -> memref<2000xf32, #tpu.memory_space<vmem_shared>>
    tpu.wait_dma2 semaphore(%arg16 : memref<!tpu.dma_semaphore, #tpu.memory_space<semaphore_mem>>) src(%arg11 : memref<2000xf32, #tpu.memory_space<vmem>>) dst(%dma_wait3A_111 : memref<2000xf32, #tpu.memory_space<vmem_shared>>)
    %dma_wait3A_112 = arith.constant 0 : i32
    %dma_wait3A_113 = tpu.memref_slice %arg12[%dma_wait3A_112] : memref<1081344xf32, #tpu.memory_space<vmem_shared>> -> memref<2000xf32, #tpu.memory_space<vmem_shared>>
    %dma_wait3A_114 = arith.constant 0 : i32
    %dma_wait3A_115 = tpu.memref_slice %arg12[%dma_wait3A_114] : memref<1081344xf32, #tpu.memory_space<vmem_shared>> -> memref<2000xf32, #tpu.memory_space<vmem_shared>>
    tpu.wait_dma2 semaphore(%arg16 : memref<!tpu.dma_semaphore, #tpu.memory_space<semaphore_mem>>) src(%arg11 : memref<2000xf32, #tpu.memory_space<vmem>>) dst(%dma_wait3A_115 : memref<2000xf32, #tpu.memory_space<vmem_shared>>)
    %barrier3A_116 = arith.constant 0 : index
    tpu.barrier barrier_id(%barrier3A_116)
    %mul3A_117 = arith.constant 65 : i32
    %mul3A_118 = arith.muli %arg1, %mul3A_117 : i32
    %mul3A_119 = arith.constant 1024 : i32
    %mul3A_120 = arith.muli %mul3A_118, %mul3A_119 : i32
    %mul3A_121 = arith.constant 65 : i32
    %mul3A_122 = arith.muli %arg1, %mul3A_121 : i32
    %mul3A_123 = arith.constant 1024 : i32
    %mul3A_124 = arith.muli %mul3A_122, %mul3A_123 : i32
    %add3A_125 = arith.addi %mul3A_22, %mul3A_124 : i32
    %dma_start3A_126 = tpu.memref_slice %arg7[%add3A_125] : memref<10649600xf32, #tpu.memory_space<hbm>> -> memref<66560xf32, #tpu.memory_space<hbm>>
    %dma_start3A_127 = tpu.memref_slice %arg12[%mul3A_120] : memref<1081344xf32, #tpu.memory_space<vmem_shared>> -> memref<66560xf32, #tpu.memory_space<vmem_shared>>
    tpu.enqueue_dma source(%dma_start3A_127 : memref<66560xf32, #tpu.memory_space<vmem_shared>>) target(%dma_start3A_126 : memref<66560xf32, #tpu.memory_space<hbm>>) target_semaphore(%arg15 : memref<!tpu.dma_semaphore, #tpu.memory_space<semaphore_mem>>)
    %dma_wait3A_128 = tpu.memref_slice %arg7[%add3A_125] : memref<10649600xf32, #tpu.memory_space<hbm>> -> memref<66560xf32, #tpu.memory_space<hbm>>
    %dma_wait3A_129 = tpu.memref_slice %arg12[%mul3A_120] : memref<1081344xf32, #tpu.memory_space<vmem_shared>> -> memref<66560xf32, #tpu.memory_space<vmem_shared>>
    tpu.wait_dma2 semaphore(%arg15 : memref<!tpu.dma_semaphore, #tpu.memory_space<semaphore_mem>>) src(%dma_wait3A_129 : memref<66560xf32, #tpu.memory_space<vmem_shared>>) dst(%dma_wait3A_128 : memref<66560xf32, #tpu.memory_space<hbm>>)
    %barrier3A_130 = arith.constant 0 : index
    tpu.barrier barrier_id(%barrier3A_130)
    %mul3A_131 = arith.constant 5 : i32
    %mul3A_132 = arith.muli %arg0, %mul3A_131 : i32
    %add3A_133 = arith.constant 1 : i32
    %add3A_134 = arith.addi %mul3A_132, %add3A_133 : i32
    %mul3A_135 = arith.constant 1040 : i32
    %mul3A_136 = arith.muli %add3A_134, %mul3A_135 : i32
    %mul3A_137 = arith.constant 1024 : i32
    %mul3A_138 = arith.muli %mul3A_136, %mul3A_137 : i32
    %mul3A_139 = arith.constant 66 : i32
    %mul3A_140 = arith.muli %arg1, %mul3A_139 : i32
    %mul3A_141 = arith.constant 1024 : i32
    %mul3A_142 = arith.muli %mul3A_140, %mul3A_141 : i32
    %dma_start3A_143 = tpu.memref_slice %arg12[%mul3A_142] : memref<1081344xf32, #tpu.memory_space<vmem_shared>> -> memref<67584xf32, #tpu.memory_space<vmem_shared>>
    tpu.enqueue_dma source(%arg6 : memref<67584xf32, #tpu.memory_space<hbm>>) target(%dma_start3A_143 : memref<67584xf32, #tpu.memory_space<vmem_shared>>) target_semaphore(%arg15 : memref<!tpu.dma_semaphore, #tpu.memory_space<semaphore_mem>>)
    %scan3A_144 = arith.constant 0 : i32
    %scan3A_145 = arith.constant 0 : i32
    %scan3A_146 = arith.constant 1250 : i32
    %scan3A_147 = arith.addi %scan3A_145, %scan3A_146 : i32
    %scan3A_148 = arith.constant 1 : i32
    scf.for %scan3A_599 = %scan3A_145 to %scan3A_147 step %scan3A_148  : i32 {
      %mul3A_600 = arith.constant 16 : i32
      %mul3A_601 = arith.muli %scan3A_599, %mul3A_600 : i32
      %get3A = arith.index_cast %mul3A_601 : i32 to index
      %get3A_602 = tpu.vector_load %arg9[%get3A] {strides = array<i32>} : memref<20000xi32, #tpu.memory_space<vmem>>, vector<16xi32>,
      %get3A_603 = vector.shape_cast %get3A_602 : vector<16xi32> to vector<16xi32>
      %sub3A = vector.broadcast %mul3A_138 : i32 to vector<16xi32>
      %sub3A_604 = arith.subi %get3A_603, %sub3A : vector<16xi32>
      %get3A_605 = arith.index_cast %mul3A_601 : i32 to index
      %get3A_606 = tpu.vector_load %arg9[%get3A_605] {strides = array<i32>} : memref<20000xi32, #tpu.memory_space<vmem>>, vector<16xi32>,
      %get3A_607 = vector.shape_cast %get3A_606 : vector<16xi32> to vector<16xi32>
      %and3A = arith.constant 1023 : i32
      %and3A_608 = vector.broadcast %and3A : i32 to vector<16xi32>
      %and3A_609 = arith.andi %get3A_607, %and3A_608 : vector<16xi32>
      %add3A_610 = arith.constant 1064960 : i32
      %add3A_611 = vector.broadcast %add3A_610 : i32 to vector<16xi32>
      %add3A_612 = arith.addi %add3A_611, %and3A_609 : vector<16xi32>
      %ge3A = arith.constant 0 : i32
      %ge3A_613 = vector.broadcast %ge3A : i32 to vector<16xi32>
      %ge3A_614 = arith.cmpi sge, %sub3A_604, %ge3A_613 : vector<16xi32>
      %lt3A = arith.constant 1064960 : i32
      %lt3A_615 = vector.broadcast %lt3A : i32 to vector<16xi32>
      %lt3A_616 = arith.cmpi slt, %sub3A_604, %lt3A_615 : vector<16xi32>
      %and3A_617 = arith.andi %ge3A_614, %lt3A_616 : vector<16xi1>
      %select_n3A = arith.select %and3A_617, %sub3A_604, %add3A_612 : vector<16xi1>, vector<16xi32>
      %swap3A = arith.index_cast %mul3A_601 : i32 to index
      %swap3A_618 = tpu.vector_load %arg10[%swap3A] {strides = array<i32>} : memref<20000xi32, #tpu.memory_space<vmem>>, vector<16xi32>,
      %swap3A_619 = vector.shape_cast %swap3A_618 : vector<16xi32> to vector<16xi32>
      %swap3A_620 = vector.shape_cast %select_n3A : vector<16xi32> to vector<16xi32>
      tpu.vector_store %arg10[%swap3A], %swap3A_620 {strides = array<i32>} : memref<20000xi32, #tpu.memory_space<vmem>>, vector<16xi32>,
    }
    %scan3A_149 = arith.constant 1250 : i32
    %dma_wait3A_150 = arith.constant 0 : i32
    %dma_wait3A_151 = tpu.memref_slice %arg12[%dma_wait3A_150] : memref<1081344xf32, #tpu.memory_space<vmem_shared>> -> memref<67584xf32, #tpu.memory_space<vmem_shared>>
    tpu.wait_dma2 semaphore(%arg15 : memref<!tpu.dma_semaphore, #tpu.memory_space<semaphore_mem>>) src(%arg6 : memref<67584xf32, #tpu.memory_space<hbm>>) dst(%dma_wait3A_151 : memref<67584xf32, #tpu.memory_space<vmem_shared>>)
    %barrier3A_152 = arith.constant 0 : index
    tpu.barrier barrier_id(%barrier3A_152)
    %dma_start3A_153 = arith.constant 0 : i32
    %dma_start3A_154 = tpu.memref_slice %arg10[%dma_start3A_153] : memref<20000xi32, #tpu.memory_space<vmem>> -> memref<2000xi32, #tpu.memory_space<vmem>>
    %dma_start3A_155 = arith.constant 0 : i32
    %dma_start3A_156 = tpu.memref_slice %arg12[%dma_start3A_155] : memref<1081344xf32, #tpu.memory_space<vmem_shared>> -> memref<1081344xf32, #tpu.memory_space<vmem_shared>>
    tpu.enqueue_indirect_dma source(%arg11 : memref<2000xf32, #tpu.memory_space<vmem>>) target(%dma_start3A_156 : memref<1081344xf32, #tpu.memory_space<vmem_shared>>) offsets(%dma_start3A_154 : memref<2000xi32, #tpu.memory_space<vmem>>) semaphore(%arg16 : memref<!tpu.dma_semaphore, #tpu.memory_space<semaphore_mem>>) {add = true}
    %dma_start3A_157 = arith.constant 2000 : i32
    %dma_start3A_158 = tpu.memref_slice %arg10[%dma_start3A_157] : memref<20000xi32, #tpu.memory_space<vmem>> -> memref<2000xi32, #tpu.memory_space<vmem>>
    %dma_start3A_159 = arith.constant 0 : i32
    %dma_start3A_160 = tpu.memref_slice %arg12[%dma_start3A_159] : memref<1081344xf32, #tpu.memory_space<vmem_shared>> -> memref<1081344xf32, #tpu.memory_space<vmem_shared>>
    tpu.enqueue_indirect_dma source(%arg11 : memref<2000xf32, #tpu.memory_space<vmem>>) target(%dma_start3A_160 : memref<1081344xf32, #tpu.memory_space<vmem_shared>>) offsets(%dma_start3A_158 : memref<2000xi32, #tpu.memory_space<vmem>>) semaphore(%arg16 : memref<!tpu.dma_semaphore, #tpu.memory_space<semaphore_mem>>) {add = true}
    %dma_start3A_161 = arith.constant 4000 : i32
    %dma_start3A_162 = tpu.memref_slice %arg10[%dma_start3A_161] : memref<20000xi32, #tpu.memory_space<vmem>> -> memref<2000xi32, #tpu.memory_space<vmem>>
    %dma_start3A_163 = arith.constant 0 : i32
    %dma_start3A_164 = tpu.memref_slice %arg12[%dma_start3A_163] : memref<1081344xf32, #tpu.memory_space<vmem_shared>> -> memref<1081344xf32, #tpu.memory_space<vmem_shared>>
    tpu.enqueue_indirect_dma source(%arg11 : memref<2000xf32, #tpu.memory_space<vmem>>) target(%dma_start3A_164 : memref<1081344xf32, #tpu.memory_space<vmem_shared>>) offsets(%dma_start3A_162 : memref<2000xi32, #tpu.memory_space<vmem>>) semaphore(%arg16 : memref<!tpu.dma_semaphore, #tpu.memory_space<semaphore_mem>>) {add = true}
    %dma_start3A_165 = arith.constant 6000 : i32
    %dma_start3A_166 = tpu.memref_slice %arg10[%dma_start3A_165] : memref<20000xi32, #tpu.memory_space<vmem>> -> memref<2000xi32, #tpu.memory_space<vmem>>
    %dma_start3A_167 = arith.constant 0 : i32
    %dma_start3A_168 = tpu.memref_slice %arg12[%dma_start3A_167] : memref<1081344xf32, #tpu.memory_space<vmem_shared>> -> memref<1081344xf32, #tpu.memory_space<vmem_shared>>
    tpu.enqueue_indirect_dma source(%arg11 : memref<2000xf32, #tpu.memory_space<vmem>>) target(%dma_start3A_168 : memref<1081344xf32, #tpu.memory_space<vmem_shared>>) offsets(%dma_start3A_166 : memref<2000xi32, #tpu.memory_space<vmem>>) semaphore(%arg16 : memref<!tpu.dma_semaphore, #tpu.memory_space<semaphore_mem>>) {add = true}
    %dma_wait3A_169 = arith.constant 0 : i32
    %dma_wait3A_170 = tpu.memref_slice %arg12[%dma_wait3A_169] : memref<1081344xf32, #tpu.memory_space<vmem_shared>> -> memref<2000xf32, #tpu.memory_space<vmem_shared>>
    %dma_wait3A_171 = arith.constant 0 : i32
    %dma_wait3A_172 = tpu.memref_slice %arg12[%dma_wait3A_171] : memref<1081344xf32, #tpu.memory_space<vmem_shared>> -> memref<2000xf32, #tpu.memory_space<vmem_shared>>
    tpu.wait_dma2 semaphore(%arg16 : memref<!tpu.dma_semaphore, #tpu.memory_space<semaphore_mem>>) src(%arg11 : memref<2000xf32, #tpu.memory_space<vmem>>) dst(%dma_wait3A_172 : memref<2000xf32, #tpu.memory_space<vmem_shared>>)
    %dma_start3A_173 = arith.constant 8000 : i32
    %dma_start3A_174 = tpu.memref_slice %arg10[%dma_start3A_173] : memref<20000xi32, #tpu.memory_space<vmem>> -> memref<2000xi32, #tpu.memory_space<vmem>>
    %dma_start3A_175 = arith.constant 0 : i32
    %dma_start3A_176 = tpu.memref_slice %arg12[%dma_start3A_175] : memref<1081344xf32, #tpu.memory_space<vmem_shared>> -> memref<1081344xf32, #tpu.memory_space<vmem_shared>>
    tpu.enqueue_indirect_dma source(%arg11 : memref<2000xf32, #tpu.memory_space<vmem>>) target(%dma_start3A_176 : memref<1081344xf32, #tpu.memory_space<vmem_shared>>) offsets(%dma_start3A_174 : memref<2000xi32, #tpu.memory_space<vmem>>) semaphore(%arg16 : memref<!tpu.dma_semaphore, #tpu.memory_space<semaphore_mem>>) {add = true}
    %dma_wait3A_177 = arith.constant 0 : i32
    %dma_wait3A_178 = tpu.memref_slice %arg12[%dma_wait3A_177] : memref<1081344xf32, #tpu.memory_space<vmem_shared>> -> memref<2000xf32, #tpu.memory_space<vmem_shared>>
    %dma_wait3A_179 = arith.constant 0 : i32
    %dma_wait3A_180 = tpu.memref_slice %arg12[%dma_wait3A_179] : memref<1081344xf32, #tpu.memory_space<vmem_shared>> -> memref<2000xf32, #tpu.memory_space<vmem_shared>>
    tpu.wait_dma2 semaphore(%arg16 : memref<!tpu.dma_semaphore, #tpu.memory_space<semaphore_mem>>) src(%arg11 : memref<2000xf32, #tpu.memory_space<vmem>>) dst(%dma_wait3A_180 : memref<2000xf32, #tpu.memory_space<vmem_shared>>)
    %dma_start3A_181 = arith.constant 10000 : i32
    %dma_start3A_182 = tpu.memref_slice %arg10[%dma_start3A_181] : memref<20000xi32, #tpu.memory_space<vmem>> -> memref<2000xi32, #tpu.memory_space<vmem>>
    %dma_start3A_183 = arith.constant 0 : i32
    %dma_start3A_184 = tpu.memref_slice %arg12[%dma_start3A_183] : memref<1081344xf32, #tpu.memory_space<vmem_shared>> -> memref<1081344xf32, #tpu.memory_space<vmem_shared>>
    tpu.enqueue_indirect_dma source(%arg11 : memref<2000xf32, #tpu.memory_space<vmem>>) target(%dma_start3A_184 : memref<1081344xf32, #tpu.memory_space<vmem_shared>>) offsets(%dma_start3A_182 : memref<2000xi32, #tpu.memory_space<vmem>>) semaphore(%arg16 : memref<!tpu.dma_semaphore, #tpu.memory_space<semaphore_mem>>) {add = true}
    %dma_wait3A_185 = arith.constant 0 : i32
    %dma_wait3A_186 = tpu.memref_slice %arg12[%dma_wait3A_185] : memref<1081344xf32, #tpu.memory_space<vmem_shared>> -> memref<2000xf32, #tpu.memory_space<vmem_shared>>
    %dma_wait3A_187 = arith.constant 0 : i32
    %dma_wait3A_188 = tpu.memref_slice %arg12[%dma_wait3A_187] : memref<1081344xf32, #tpu.memory_space<vmem_shared>> -> memref<2000xf32, #tpu.memory_space<vmem_shared>>
    tpu.wait_dma2 semaphore(%arg16 : memref<!tpu.dma_semaphore, #tpu.memory_space<semaphore_mem>>) src(%arg11 : memref<2000xf32, #tpu.memory_space<vmem>>) dst(%dma_wait3A_188 : memref<2000xf32, #tpu.memory_space<vmem_shared>>)
    %dma_start3A_189 = arith.constant 12000 : i32
    %dma_start3A_190 = tpu.memref_slice %arg10[%dma_start3A_189] : memref<20000xi32, #tpu.memory_space<vmem>> -> memref<2000xi32, #tpu.memory_space<vmem>>
    %dma_start3A_191 = arith.constant 0 : i32
    %dma_start3A_192 = tpu.memref_slice %arg12[%dma_start3A_191] : memref<1081344xf32, #tpu.memory_space<vmem_shared>> -> memref<1081344xf32, #tpu.memory_space<vmem_shared>>
    tpu.enqueue_indirect_dma source(%arg11 : memref<2000xf32, #tpu.memory_space<vmem>>) target(%dma_start3A_192 : memref<1081344xf32, #tpu.memory_space<vmem_shared>>) offsets(%dma_start3A_190 : memref<2000xi32, #tpu.memory_space<vmem>>) semaphore(%arg16 : memref<!tpu.dma_semaphore, #tpu.memory_space<semaphore_mem>>) {add = true}
    %dma_wait3A_193 = arith.constant 0 : i32
    %dma_wait3A_194 = tpu.memref_slice %arg12[%dma_wait3A_193] : memref<1081344xf32, #tpu.memory_space<vmem_shared>> -> memref<2000xf32, #tpu.memory_space<vmem_shared>>
    %dma_wait3A_195 = arith.constant 0 : i32
    %dma_wait3A_196 = tpu.memref_slice %arg12[%dma_wait3A_195] : memref<1081344xf32, #tpu.memory_space<vmem_shared>> -> memref<2000xf32, #tpu.memory_space<vmem_shared>>
    tpu.wait_dma2 semaphore(%arg16 : memref<!tpu.dma_semaphore, #tpu.memory_space<semaphore_mem>>) src(%arg11 : memref<2000xf32, #tpu.memory_space<vmem>>) dst(%dma_wait3A_196 : memref<2000xf32, #tpu.memory_space<vmem_shared>>)
    %dma_start3A_197 = arith.constant 14000 : i32
    %dma_start3A_198 = tpu.memref_slice %arg10[%dma_start3A_197] : memref<20000xi32, #tpu.memory_space<vmem>> -> memref<2000xi32, #tpu.memory_space<vmem>>
    %dma_start3A_199 = arith.constant 0 : i32
    %dma_start3A_200 = tpu.memref_slice %arg12[%dma_start3A_199] : memref<1081344xf32, #tpu.memory_space<vmem_shared>> -> memref<1081344xf32, #tpu.memory_space<vmem_shared>>
    tpu.enqueue_indirect_dma source(%arg11 : memref<2000xf32, #tpu.memory_space<vmem>>) target(%dma_start3A_200 : memref<1081344xf32, #tpu.memory_space<vmem_shared>>) offsets(%dma_start3A_198 : memref<2000xi32, #tpu.memory_space<vmem>>) semaphore(%arg16 : memref<!tpu.dma_semaphore, #tpu.memory_space<semaphore_mem>>) {add = true}
    %dma_wait3A_201 = arith.constant 0 : i32
    %dma_wait3A_202 = tpu.memref_slice %arg12[%dma_wait3A_201] : memref<1081344xf32, #tpu.memory_space<vmem_shared>> -> memref<2000xf32, #tpu.memory_space<vmem_shared>>
    %dma_wait3A_203 = arith.constant 0 : i32
    %dma_wait3A_204 = tpu.memref_slice %arg12[%dma_wait3A_203] : memref<1081344xf32, #tpu.memory_space<vmem_shared>> -> memref<2000xf32, #tpu.memory_space<vmem_shared>>
    tpu.wait_dma2 semaphore(%arg16 : memref<!tpu.dma_semaphore, #tpu.memory_space<semaphore_mem>>) src(%arg11 : memref<2000xf32, #tpu.memory_space<vmem>>) dst(%dma_wait3A_204 : memref<2000xf32, #tpu.memory_space<vmem_shared>>)
    %dma_start3A_205 = arith.constant 16000 : i32
    %dma_start3A_206 = tpu.memref_slice %arg10[%dma_start3A_205] : memref<20000xi32, #tpu.memory_space<vmem>> -> memref<2000xi32, #tpu.memory_space<vmem>>
    %dma_start3A_207 = arith.constant 0 : i32
    %dma_start3A_208 = tpu.memref_slice %arg12[%dma_start3A_207] : memref<1081344xf32, #tpu.memory_space<vmem_shared>> -> memref<1081344xf32, #tpu.memory_space<vmem_shared>>
    tpu.enqueue_indirect_dma source(%arg11 : memref<2000xf32, #tpu.memory_space<vmem>>) target(%dma_start3A_208 : memref<1081344xf32, #tpu.memory_space<vmem_shared>>) offsets(%dma_start3A_206 : memref<2000xi32, #tpu.memory_space<vmem>>) semaphore(%arg16 : memref<!tpu.dma_semaphore, #tpu.memory_space<semaphore_mem>>) {add = true}
    %dma_wait3A_209 = arith.constant 0 : i32
    %dma_wait3A_210 = tpu.memref_slice %arg12[%dma_wait3A_209] : memref<1081344xf32, #tpu.memory_space<vmem_shared>> -> memref<2000xf32, #tpu.memory_space<vmem_shared>>
    %dma_wait3A_211 = arith.constant 0 : i32
    %dma_wait3A_212 = tpu.memref_slice %arg12[%dma_wait3A_211] : memref<1081344xf32, #tpu.memory_space<vmem_shared>> -> memref<2000xf32, #tpu.memory_space<vmem_shared>>
    tpu.wait_dma2 semaphore(%arg16 : memref<!tpu.dma_semaphore, #tpu.memory_space<semaphore_mem>>) src(%arg11 : memref<2000xf32, #tpu.memory_space<vmem>>) dst(%dma_wait3A_212 : memref<2000xf32, #tpu.memory_space<vmem_shared>>)
    %dma_start3A_213 = arith.constant 18000 : i32
    %dma_start3A_214 = tpu.memref_slice %arg10[%dma_start3A_213] : memref<20000xi32, #tpu.memory_space<vmem>> -> memref<2000xi32, #tpu.memory_space<vmem>>
    %dma_start3A_215 = arith.constant 0 : i32
    %dma_start3A_216 = tpu.memref_slice %arg12[%dma_start3A_215] : memref<1081344xf32, #tpu.memory_space<vmem_shared>> -> memref<1081344xf32, #tpu.memory_space<vmem_shared>>
    tpu.enqueue_indirect_dma source(%arg11 : memref<2000xf32, #tpu.memory_space<vmem>>) target(%dma_start3A_216 : memref<1081344xf32, #tpu.memory_space<vmem_shared>>) offsets(%dma_start3A_214 : memref<2000xi32, #tpu.memory_space<vmem>>) semaphore(%arg16 : memref<!tpu.dma_semaphore, #tpu.memory_space<semaphore_mem>>) {add = true}
    %dma_wait3A_217 = arith.constant 0 : i32
    %dma_wait3A_218 = tpu.memref_slice %arg12[%dma_wait3A_217] : memref<1081344xf32, #tpu.memory_space<vmem_shared>> -> memref<2000xf32, #tpu.memory_space<vmem_shared>>
    %dma_wait3A_219 = arith.constant 0 : i32
    %dma_wait3A_220 = tpu.memref_slice %arg12[%dma_wait3A_219] : memref<1081344xf32, #tpu.memory_space<vmem_shared>> -> memref<2000xf32, #tpu.memory_space<vmem_shared>>
    tpu.wait_dma2 semaphore(%arg16 : memref<!tpu.dma_semaphore, #tpu.memory_space<semaphore_mem>>) src(%arg11 : memref<2000xf32, #tpu.memory_space<vmem>>) dst(%dma_wait3A_220 : memref<2000xf32, #tpu.memory_space<vmem_shared>>)
    %dma_wait3A_221 = arith.constant 0 : i32
    %dma_wait3A_222 = tpu.memref_slice %arg12[%dma_wait3A_221] : memref<1081344xf32, #tpu.memory_space<vmem_shared>> -> memref<2000xf32, #tpu.memory_space<vmem_shared>>
    %dma_wait3A_223 = arith.constant 0 : i32
    %dma_wait3A_224 = tpu.memref_slice %arg12[%dma_wait3A_223] : memref<1081344xf32, #tpu.memory_space<vmem_shared>> -> memref<2000xf32, #tpu.memory_space<vmem_shared>>
    tpu.wait_dma2 semaphore(%arg16 : memref<!tpu.dma_semaphore, #tpu.memory_space<semaphore_mem>>) src(%arg11 : memref<2000xf32, #tpu.memory_space<vmem>>) dst(%dma_wait3A_224 : memref<2000xf32, #tpu.memory_space<vmem_shared>>)
    %dma_wait3A_225 = arith.constant 0 : i32
    %dma_wait3A_226 = tpu.memref_slice %arg12[%dma_wait3A_225] : memref<1081344xf32, #tpu.memory_space<vmem_shared>> -> memref<2000xf32, #tpu.memory_space<vmem_shared>>
    %dma_wait3A_227 = arith.constant 0 : i32
    %dma_wait3A_228 = tpu.memref_slice %arg12[%dma_wait3A_227] : memref<1081344xf32, #tpu.memory_space<vmem_shared>> -> memref<2000xf32, #tpu.memory_space<vmem_shared>>
    tpu.wait_dma2 semaphore(%arg16 : memref<!tpu.dma_semaphore, #tpu.memory_space<semaphore_mem>>) src(%arg11 : memref<2000xf32, #tpu.memory_space<vmem>>) dst(%dma_wait3A_228 : memref<2000xf32, #tpu.memory_space<vmem_shared>>)
    %dma_wait3A_229 = arith.constant 0 : i32
    %dma_wait3A_230 = tpu.memref_slice %arg12[%dma_wait3A_229] : memref<1081344xf32, #tpu.memory_space<vmem_shared>> -> memref<2000xf32, #tpu.memory_space<vmem_shared>>
    %dma_wait3A_231 = arith.constant 0 : i32
    %dma_wait3A_232 = tpu.memref_slice %arg12[%dma_wait3A_231] : memref<1081344xf32, #tpu.memory_space<vmem_shared>> -> memref<2000xf32, #tpu.memory_space<vmem_shared>>
    tpu.wait_dma2 semaphore(%arg16 : memref<!tpu.dma_semaphore, #tpu.memory_space<semaphore_mem>>) src(%arg11 : memref<2000xf32, #tpu.memory_space<vmem>>) dst(%dma_wait3A_232 : memref<2000xf32, #tpu.memory_space<vmem_shared>>)
    %barrier3A_233 = arith.constant 0 : index
    tpu.barrier barrier_id(%barrier3A_233)
    %mul3A_234 = arith.constant 65 : i32
    %mul3A_235 = arith.muli %arg1, %mul3A_234 : i32
    %mul3A_236 = arith.constant 1024 : i32
    %mul3A_237 = arith.muli %mul3A_235, %mul3A_236 : i32
    %mul3A_238 = arith.constant 65 : i32
    %mul3A_239 = arith.muli %arg1, %mul3A_238 : i32
    %mul3A_240 = arith.constant 1024 : i32
    %mul3A_241 = arith.muli %mul3A_239, %mul3A_240 : i32
    %add3A_242 = arith.addi %mul3A_138, %mul3A_241 : i32
    %dma_start3A_243 = tpu.memref_slice %arg7[%add3A_242] : memref<10649600xf32, #tpu.memory_space<hbm>> -> memref<66560xf32, #tpu.memory_space<hbm>>
    %dma_start3A_244 = tpu.memref_slice %arg12[%mul3A_237] : memref<1081344xf32, #tpu.memory_space<vmem_shared>> -> memref<66560xf32, #tpu.memory_space<vmem_shared>>
    tpu.enqueue_dma source(%dma_start3A_244 : memref<66560xf32, #tpu.memory_space<vmem_shared>>) target(%dma_start3A_243 : memref<66560xf32, #tpu.memory_space<hbm>>) target_semaphore(%arg15 : memref<!tpu.dma_semaphore, #tpu.memory_space<semaphore_mem>>)
    %dma_wait3A_245 = tpu.memref_slice %arg7[%add3A_242] : memref<10649600xf32, #tpu.memory_space<hbm>> -> memref<66560xf32, #tpu.memory_space<hbm>>
    %dma_wait3A_246 = tpu.memref_slice %arg12[%mul3A_237] : memref<1081344xf32, #tpu.memory_space<vmem_shared>> -> memref<66560xf32, #tpu.memory_space<vmem_shared>>
    tpu.wait_dma2 semaphore(%arg15 : memref<!tpu.dma_semaphore, #tpu.memory_space<semaphore_mem>>) src(%dma_wait3A_246 : memref<66560xf32, #tpu.memory_space<vmem_shared>>) dst(%dma_wait3A_245 : memref<66560xf32, #tpu.memory_space<hbm>>)
    %barrier3A_247 = arith.constant 0 : index
    tpu.barrier barrier_id(%barrier3A_247)
    %mul3A_248 = arith.constant 5 : i32
    %mul3A_249 = arith.muli %arg0, %mul3A_248 : i32
    %add3A_250 = arith.constant 2 : i32
    %add3A_251 = arith.addi %mul3A_249, %add3A_250 : i32
    %mul3A_252 = arith.constant 1040 : i32
    %mul3A_253 = arith.muli %add3A_251, %mul3A_252 : i32
    %mul3A_254 = arith.constant 1024 : i32
    %mul3A_255 = arith.muli %mul3A_253, %mul3A_254 : i32
    %mul3A_256 = arith.constant 66 : i32
    %mul3A_257 = arith.muli %arg1, %mul3A_256 : i32
    %mul3A_258 = arith.constant 1024 : i32
    %mul3A_259 = arith.muli %mul3A_257, %mul3A_258 : i32
    %dma_start3A_260 = tpu.memref_slice %arg12[%mul3A_259] : memref<1081344xf32, #tpu.memory_space<vmem_shared>> -> memref<67584xf32, #tpu.memory_space<vmem_shared>>
    tpu.enqueue_dma source(%arg6 : memref<67584xf32, #tpu.memory_space<hbm>>) target(%dma_start3A_260 : memref<67584xf32, #tpu.memory_space<vmem_shared>>) target_semaphore(%arg15 : memref<!tpu.dma_semaphore, #tpu.memory_space<semaphore_mem>>)
    %scan3A_261 = arith.constant 0 : i32
    %scan3A_262 = arith.constant 0 : i32
    %scan3A_263 = arith.constant 1250 : i32
    %scan3A_264 = arith.addi %scan3A_262, %scan3A_263 : i32
    %scan3A_265 = arith.constant 1 : i32
    scf.for %scan3A_599 = %scan3A_262 to %scan3A_264 step %scan3A_265  : i32 {
      %mul3A_600 = arith.constant 16 : i32
      %mul3A_601 = arith.muli %scan3A_599, %mul3A_600 : i32
      %get3A = arith.index_cast %mul3A_601 : i32 to index
      %get3A_602 = tpu.vector_load %arg9[%get3A] {strides = array<i32>} : memref<20000xi32, #tpu.memory_space<vmem>>, vector<16xi32>,
      %get3A_603 = vector.shape_cast %get3A_602 : vector<16xi32> to vector<16xi32>
      %sub3A = vector.broadcast %mul3A_255 : i32 to vector<16xi32>
      %sub3A_604 = arith.subi %get3A_603, %sub3A : vector<16xi32>
      %get3A_605 = arith.index_cast %mul3A_601 : i32 to index
      %get3A_606 = tpu.vector_load %arg9[%get3A_605] {strides = array<i32>} : memref<20000xi32, #tpu.memory_space<vmem>>, vector<16xi32>,
      %get3A_607 = vector.shape_cast %get3A_606 : vector<16xi32> to vector<16xi32>
      %and3A = arith.constant 1023 : i32
      %and3A_608 = vector.broadcast %and3A : i32 to vector<16xi32>
      %and3A_609 = arith.andi %get3A_607, %and3A_608 : vector<16xi32>
      %add3A_610 = arith.constant 1064960 : i32
      %add3A_611 = vector.broadcast %add3A_610 : i32 to vector<16xi32>
      %add3A_612 = arith.addi %add3A_611, %and3A_609 : vector<16xi32>
      %ge3A = arith.constant 0 : i32
      %ge3A_613 = vector.broadcast %ge3A : i32 to vector<16xi32>
      %ge3A_614 = arith.cmpi sge, %sub3A_604, %ge3A_613 : vector<16xi32>
      %lt3A = arith.constant 1064960 : i32
      %lt3A_615 = vector.broadcast %lt3A : i32 to vector<16xi32>
      %lt3A_616 = arith.cmpi slt, %sub3A_604, %lt3A_615 : vector<16xi32>
      %and3A_617 = arith.andi %ge3A_614, %lt3A_616 : vector<16xi1>
      %select_n3A = arith.select %and3A_617, %sub3A_604, %add3A_612 : vector<16xi1>, vector<16xi32>
      %swap3A = arith.index_cast %mul3A_601 : i32 to index
      %swap3A_618 = tpu.vector_load %arg10[%swap3A] {strides = array<i32>} : memref<20000xi32, #tpu.memory_space<vmem>>, vector<16xi32>,
      %swap3A_619 = vector.shape_cast %swap3A_618 : vector<16xi32> to vector<16xi32>
      %swap3A_620 = vector.shape_cast %select_n3A : vector<16xi32> to vector<16xi32>
      tpu.vector_store %arg10[%swap3A], %swap3A_620 {strides = array<i32>} : memref<20000xi32, #tpu.memory_space<vmem>>, vector<16xi32>,
    }
    %scan3A_266 = arith.constant 1250 : i32
    %dma_wait3A_267 = arith.constant 0 : i32
    %dma_wait3A_268 = tpu.memref_slice %arg12[%dma_wait3A_267] : memref<1081344xf32, #tpu.memory_space<vmem_shared>> -> memref<67584xf32, #tpu.memory_space<vmem_shared>>
    tpu.wait_dma2 semaphore(%arg15 : memref<!tpu.dma_semaphore, #tpu.memory_space<semaphore_mem>>) src(%arg6 : memref<67584xf32, #tpu.memory_space<hbm>>) dst(%dma_wait3A_268 : memref<67584xf32, #tpu.memory_space<vmem_shared>>)
    %barrier3A_269 = arith.constant 0 : index
    tpu.barrier barrier_id(%barrier3A_269)
    %dma_start3A_270 = arith.constant 0 : i32
    %dma_start3A_271 = tpu.memref_slice %arg10[%dma_start3A_270] : memref<20000xi32, #tpu.memory_space<vmem>> -> memref<2000xi32, #tpu.memory_space<vmem>>
    %dma_start3A_272 = arith.constant 0 : i32
    %dma_start3A_273 = tpu.memref_slice %arg12[%dma_start3A_272] : memref<1081344xf32, #tpu.memory_space<vmem_shared>> -> memref<1081344xf32, #tpu.memory_space<vmem_shared>>
    tpu.enqueue_indirect_dma source(%arg11 : memref<2000xf32, #tpu.memory_space<vmem>>) target(%dma_start3A_273 : memref<1081344xf32, #tpu.memory_space<vmem_shared>>) offsets(%dma_start3A_271 : memref<2000xi32, #tpu.memory_space<vmem>>) semaphore(%arg16 : memref<!tpu.dma_semaphore, #tpu.memory_space<semaphore_mem>>) {add = true}
    %dma_start3A_274 = arith.constant 2000 : i32
    %dma_start3A_275 = tpu.memref_slice %arg10[%dma_start3A_274] : memref<20000xi32, #tpu.memory_space<vmem>> -> memref<2000xi32, #tpu.memory_space<vmem>>
    %dma_start3A_276 = arith.constant 0 : i32
    %dma_start3A_277 = tpu.memref_slice %arg12[%dma_start3A_276] : memref<1081344xf32, #tpu.memory_space<vmem_shared>> -> memref<1081344xf32, #tpu.memory_space<vmem_shared>>
    tpu.enqueue_indirect_dma source(%arg11 : memref<2000xf32, #tpu.memory_space<vmem>>) target(%dma_start3A_277 : memref<1081344xf32, #tpu.memory_space<vmem_shared>>) offsets(%dma_start3A_275 : memref<2000xi32, #tpu.memory_space<vmem>>) semaphore(%arg16 : memref<!tpu.dma_semaphore, #tpu.memory_space<semaphore_mem>>) {add = true}
    %dma_start3A_278 = arith.constant 4000 : i32
    %dma_start3A_279 = tpu.memref_slice %arg10[%dma_start3A_278] : memref<20000xi32, #tpu.memory_space<vmem>> -> memref<2000xi32, #tpu.memory_space<vmem>>
    %dma_start3A_280 = arith.constant 0 : i32
    %dma_start3A_281 = tpu.memref_slice %arg12[%dma_start3A_280] : memref<1081344xf32, #tpu.memory_space<vmem_shared>> -> memref<1081344xf32, #tpu.memory_space<vmem_shared>>
    tpu.enqueue_indirect_dma source(%arg11 : memref<2000xf32, #tpu.memory_space<vmem>>) target(%dma_start3A_281 : memref<1081344xf32, #tpu.memory_space<vmem_shared>>) offsets(%dma_start3A_279 : memref<2000xi32, #tpu.memory_space<vmem>>) semaphore(%arg16 : memref<!tpu.dma_semaphore, #tpu.memory_space<semaphore_mem>>) {add = true}
    %dma_start3A_282 = arith.constant 6000 : i32
    %dma_start3A_283 = tpu.memref_slice %arg10[%dma_start3A_282] : memref<20000xi32, #tpu.memory_space<vmem>> -> memref<2000xi32, #tpu.memory_space<vmem>>
    %dma_start3A_284 = arith.constant 0 : i32
    %dma_start3A_285 = tpu.memref_slice %arg12[%dma_start3A_284] : memref<1081344xf32, #tpu.memory_space<vmem_shared>> -> memref<1081344xf32, #tpu.memory_space<vmem_shared>>
    tpu.enqueue_indirect_dma source(%arg11 : memref<2000xf32, #tpu.memory_space<vmem>>) target(%dma_start3A_285 : memref<1081344xf32, #tpu.memory_space<vmem_shared>>) offsets(%dma_start3A_283 : memref<2000xi32, #tpu.memory_space<vmem>>) semaphore(%arg16 : memref<!tpu.dma_semaphore, #tpu.memory_space<semaphore_mem>>) {add = true}
    %dma_wait3A_286 = arith.constant 0 : i32
    %dma_wait3A_287 = tpu.memref_slice %arg12[%dma_wait3A_286] : memref<1081344xf32, #tpu.memory_space<vmem_shared>> -> memref<2000xf32, #tpu.memory_space<vmem_shared>>
    %dma_wait3A_288 = arith.constant 0 : i32
    %dma_wait3A_289 = tpu.memref_slice %arg12[%dma_wait3A_288] : memref<1081344xf32, #tpu.memory_space<vmem_shared>> -> memref<2000xf32, #tpu.memory_space<vmem_shared>>
    tpu.wait_dma2 semaphore(%arg16 : memref<!tpu.dma_semaphore, #tpu.memory_space<semaphore_mem>>) src(%arg11 : memref<2000xf32, #tpu.memory_space<vmem>>) dst(%dma_wait3A_289 : memref<2000xf32, #tpu.memory_space<vmem_shared>>)
    %dma_start3A_290 = arith.constant 8000 : i32
    %dma_start3A_291 = tpu.memref_slice %arg10[%dma_start3A_290] : memref<20000xi32, #tpu.memory_space<vmem>> -> memref<2000xi32, #tpu.memory_space<vmem>>
    %dma_start3A_292 = arith.constant 0 : i32
    %dma_start3A_293 = tpu.memref_slice %arg12[%dma_start3A_292] : memref<1081344xf32, #tpu.memory_space<vmem_shared>> -> memref<1081344xf32, #tpu.memory_space<vmem_shared>>
    tpu.enqueue_indirect_dma source(%arg11 : memref<2000xf32, #tpu.memory_space<vmem>>) target(%dma_start3A_293 : memref<1081344xf32, #tpu.memory_space<vmem_shared>>) offsets(%dma_start3A_291 : memref<2000xi32, #tpu.memory_space<vmem>>) semaphore(%arg16 : memref<!tpu.dma_semaphore, #tpu.memory_space<semaphore_mem>>) {add = true}
    %dma_wait3A_294 = arith.constant 0 : i32
    %dma_wait3A_295 = tpu.memref_slice %arg12[%dma_wait3A_294] : memref<1081344xf32, #tpu.memory_space<vmem_shared>> -> memref<2000xf32, #tpu.memory_space<vmem_shared>>
    %dma_wait3A_296 = arith.constant 0 : i32
    %dma_wait3A_297 = tpu.memref_slice %arg12[%dma_wait3A_296] : memref<1081344xf32, #tpu.memory_space<vmem_shared>> -> memref<2000xf32, #tpu.memory_space<vmem_shared>>
    tpu.wait_dma2 semaphore(%arg16 : memref<!tpu.dma_semaphore, #tpu.memory_space<semaphore_mem>>) src(%arg11 : memref<2000xf32, #tpu.memory_space<vmem>>) dst(%dma_wait3A_297 : memref<2000xf32, #tpu.memory_space<vmem_shared>>)
    %dma_start3A_298 = arith.constant 10000 : i32
    %dma_start3A_299 = tpu.memref_slice %arg10[%dma_start3A_298] : memref<20000xi32, #tpu.memory_space<vmem>> -> memref<2000xi32, #tpu.memory_space<vmem>>
    %dma_start3A_300 = arith.constant 0 : i32
    %dma_start3A_301 = tpu.memref_slice %arg12[%dma_start3A_300] : memref<1081344xf32, #tpu.memory_space<vmem_shared>> -> memref<1081344xf32, #tpu.memory_space<vmem_shared>>
    tpu.enqueue_indirect_dma source(%arg11 : memref<2000xf32, #tpu.memory_space<vmem>>) target(%dma_start3A_301 : memref<1081344xf32, #tpu.memory_space<vmem_shared>>) offsets(%dma_start3A_299 : memref<2000xi32, #tpu.memory_space<vmem>>) semaphore(%arg16 : memref<!tpu.dma_semaphore, #tpu.memory_space<semaphore_mem>>) {add = true}
    %dma_wait3A_302 = arith.constant 0 : i32
    %dma_wait3A_303 = tpu.memref_slice %arg12[%dma_wait3A_302] : memref<1081344xf32, #tpu.memory_space<vmem_shared>> -> memref<2000xf32, #tpu.memory_space<vmem_shared>>
    %dma_wait3A_304 = arith.constant 0 : i32
    %dma_wait3A_305 = tpu.memref_slice %arg12[%dma_wait3A_304] : memref<1081344xf32, #tpu.memory_space<vmem_shared>> -> memref<2000xf32, #tpu.memory_space<vmem_shared>>
    tpu.wait_dma2 semaphore(%arg16 : memref<!tpu.dma_semaphore, #tpu.memory_space<semaphore_mem>>) src(%arg11 : memref<2000xf32, #tpu.memory_space<vmem>>) dst(%dma_wait3A_305 : memref<2000xf32, #tpu.memory_space<vmem_shared>>)
    %dma_start3A_306 = arith.constant 12000 : i32
    %dma_start3A_307 = tpu.memref_slice %arg10[%dma_start3A_306] : memref<20000xi32, #tpu.memory_space<vmem>> -> memref<2000xi32, #tpu.memory_space<vmem>>
    %dma_start3A_308 = arith.constant 0 : i32
    %dma_start3A_309 = tpu.memref_slice %arg12[%dma_start3A_308] : memref<1081344xf32, #tpu.memory_space<vmem_shared>> -> memref<1081344xf32, #tpu.memory_space<vmem_shared>>
    tpu.enqueue_indirect_dma source(%arg11 : memref<2000xf32, #tpu.memory_space<vmem>>) target(%dma_start3A_309 : memref<1081344xf32, #tpu.memory_space<vmem_shared>>) offsets(%dma_start3A_307 : memref<2000xi32, #tpu.memory_space<vmem>>) semaphore(%arg16 : memref<!tpu.dma_semaphore, #tpu.memory_space<semaphore_mem>>) {add = true}
    %dma_wait3A_310 = arith.constant 0 : i32
    %dma_wait3A_311 = tpu.memref_slice %arg12[%dma_wait3A_310] : memref<1081344xf32, #tpu.memory_space<vmem_shared>> -> memref<2000xf32, #tpu.memory_space<vmem_shared>>
    %dma_wait3A_312 = arith.constant 0 : i32
    %dma_wait3A_313 = tpu.memref_slice %arg12[%dma_wait3A_312] : memref<1081344xf32, #tpu.memory_space<vmem_shared>> -> memref<2000xf32, #tpu.memory_space<vmem_shared>>
    tpu.wait_dma2 semaphore(%arg16 : memref<!tpu.dma_semaphore, #tpu.memory_space<semaphore_mem>>) src(%arg11 : memref<2000xf32, #tpu.memory_space<vmem>>) dst(%dma_wait3A_313 : memref<2000xf32, #tpu.memory_space<vmem_shared>>)
    %dma_start3A_314 = arith.constant 14000 : i32
    %dma_start3A_315 = tpu.memref_slice %arg10[%dma_start3A_314] : memref<20000xi32, #tpu.memory_space<vmem>> -> memref<2000xi32, #tpu.memory_space<vmem>>
    %dma_start3A_316 = arith.constant 0 : i32
    %dma_start3A_317 = tpu.memref_slice %arg12[%dma_start3A_316] : memref<1081344xf32, #tpu.memory_space<vmem_shared>> -> memref<1081344xf32, #tpu.memory_space<vmem_shared>>
    tpu.enqueue_indirect_dma source(%arg11 : memref<2000xf32, #tpu.memory_space<vmem>>) target(%dma_start3A_317 : memref<1081344xf32, #tpu.memory_space<vmem_shared>>) offsets(%dma_start3A_315 : memref<2000xi32, #tpu.memory_space<vmem>>) semaphore(%arg16 : memref<!tpu.dma_semaphore, #tpu.memory_space<semaphore_mem>>) {add = true}
    %dma_wait3A_318 = arith.constant 0 : i32
    %dma_wait3A_319 = tpu.memref_slice %arg12[%dma_wait3A_318] : memref<1081344xf32, #tpu.memory_space<vmem_shared>> -> memref<2000xf32, #tpu.memory_space<vmem_shared>>
    %dma_wait3A_320 = arith.constant 0 : i32
    %dma_wait3A_321 = tpu.memref_slice %arg12[%dma_wait3A_320] : memref<1081344xf32, #tpu.memory_space<vmem_shared>> -> memref<2000xf32, #tpu.memory_space<vmem_shared>>
    tpu.wait_dma2 semaphore(%arg16 : memref<!tpu.dma_semaphore, #tpu.memory_space<semaphore_mem>>) src(%arg11 : memref<2000xf32, #tpu.memory_space<vmem>>) dst(%dma_wait3A_321 : memref<2000xf32, #tpu.memory_space<vmem_shared>>)
    %dma_start3A_322 = arith.constant 16000 : i32
    %dma_start3A_323 = tpu.memref_slice %arg10[%dma_start3A_322] : memref<20000xi32, #tpu.memory_space<vmem>> -> memref<2000xi32, #tpu.memory_space<vmem>>
    %dma_start3A_324 = arith.constant 0 : i32
    %dma_start3A_325 = tpu.memref_slice %arg12[%dma_start3A_324] : memref<1081344xf32, #tpu.memory_space<vmem_shared>> -> memref<1081344xf32, #tpu.memory_space<vmem_shared>>
    tpu.enqueue_indirect_dma source(%arg11 : memref<2000xf32, #tpu.memory_space<vmem>>) target(%dma_start3A_325 : memref<1081344xf32, #tpu.memory_space<vmem_shared>>) offsets(%dma_start3A_323 : memref<2000xi32, #tpu.memory_space<vmem>>) semaphore(%arg16 : memref<!tpu.dma_semaphore, #tpu.memory_space<semaphore_mem>>) {add = true}
    %dma_wait3A_326 = arith.constant 0 : i32
    %dma_wait3A_327 = tpu.memref_slice %arg12[%dma_wait3A_326] : memref<1081344xf32, #tpu.memory_space<vmem_shared>> -> memref<2000xf32, #tpu.memory_space<vmem_shared>>
    %dma_wait3A_328 = arith.constant 0 : i32
    %dma_wait3A_329 = tpu.memref_slice %arg12[%dma_wait3A_328] : memref<1081344xf32, #tpu.memory_space<vmem_shared>> -> memref<2000xf32, #tpu.memory_space<vmem_shared>>
    tpu.wait_dma2 semaphore(%arg16 : memref<!tpu.dma_semaphore, #tpu.memory_space<semaphore_mem>>) src(%arg11 : memref<2000xf32, #tpu.memory_space<vmem>>) dst(%dma_wait3A_329 : memref<2000xf32, #tpu.memory_space<vmem_shared>>)
    %dma_start3A_330 = arith.constant 18000 : i32
    %dma_start3A_331 = tpu.memref_slice %arg10[%dma_start3A_330] : memref<20000xi32, #tpu.memory_space<vmem>> -> memref<2000xi32, #tpu.memory_space<vmem>>
    %dma_start3A_332 = arith.constant 0 : i32
    %dma_start3A_333 = tpu.memref_slice %arg12[%dma_start3A_332] : memref<1081344xf32, #tpu.memory_space<vmem_shared>> -> memref<1081344xf32, #tpu.memory_space<vmem_shared>>
    tpu.enqueue_indirect_dma source(%arg11 : memref<2000xf32, #tpu.memory_space<vmem>>) target(%dma_start3A_333 : memref<1081344xf32, #tpu.memory_space<vmem_shared>>) offsets(%dma_start3A_331 : memref<2000xi32, #tpu.memory_space<vmem>>) semaphore(%arg16 : memref<!tpu.dma_semaphore, #tpu.memory_space<semaphore_mem>>) {add = true}
    %dma_wait3A_334 = arith.constant 0 : i32
    %dma_wait3A_335 = tpu.memref_slice %arg12[%dma_wait3A_334] : memref<1081344xf32, #tpu.memory_space<vmem_shared>> -> memref<2000xf32, #tpu.memory_space<vmem_shared>>
    %dma_wait3A_336 = arith.constant 0 : i32
    %dma_wait3A_337 = tpu.memref_slice %arg12[%dma_wait3A_336] : memref<1081344xf32, #tpu.memory_space<vmem_shared>> -> memref<2000xf32, #tpu.memory_space<vmem_shared>>
    tpu.wait_dma2 semaphore(%arg16 : memref<!tpu.dma_semaphore, #tpu.memory_space<semaphore_mem>>) src(%arg11 : memref<2000xf32, #tpu.memory_space<vmem>>) dst(%dma_wait3A_337 : memref<2000xf32, #tpu.memory_space<vmem_shared>>)
    %dma_wait3A_338 = arith.constant 0 : i32
    %dma_wait3A_339 = tpu.memref_slice %arg12[%dma_wait3A_338] : memref<1081344xf32, #tpu.memory_space<vmem_shared>> -> memref<2000xf32, #tpu.memory_space<vmem_shared>>
    %dma_wait3A_340 = arith.constant 0 : i32
    %dma_wait3A_341 = tpu.memref_slice %arg12[%dma_wait3A_340] : memref<1081344xf32, #tpu.memory_space<vmem_shared>> -> memref<2000xf32, #tpu.memory_space<vmem_shared>>
    tpu.wait_dma2 semaphore(%arg16 : memref<!tpu.dma_semaphore, #tpu.memory_space<semaphore_mem>>) src(%arg11 : memref<2000xf32, #tpu.memory_space<vmem>>) dst(%dma_wait3A_341 : memref<2000xf32, #tpu.memory_space<vmem_shared>>)
    %dma_wait3A_342 = arith.constant 0 : i32
    %dma_wait3A_343 = tpu.memref_slice %arg12[%dma_wait3A_342] : memref<1081344xf32, #tpu.memory_space<vmem_shared>> -> memref<2000xf32, #tpu.memory_space<vmem_shared>>
    %dma_wait3A_344 = arith.constant 0 : i32
    %dma_wait3A_345 = tpu.memref_slice %arg12[%dma_wait3A_344] : memref<1081344xf32, #tpu.memory_space<vmem_shared>> -> memref<2000xf32, #tpu.memory_space<vmem_shared>>
    tpu.wait_dma2 semaphore(%arg16 : memref<!tpu.dma_semaphore, #tpu.memory_space<semaphore_mem>>) src(%arg11 : memref<2000xf32, #tpu.memory_space<vmem>>) dst(%dma_wait3A_345 : memref<2000xf32, #tpu.memory_space<vmem_shared>>)
    %dma_wait3A_346 = arith.constant 0 : i32
    %dma_wait3A_347 = tpu.memref_slice %arg12[%dma_wait3A_346] : memref<1081344xf32, #tpu.memory_space<vmem_shared>> -> memref<2000xf32, #tpu.memory_space<vmem_shared>>
    %dma_wait3A_348 = arith.constant 0 : i32
    %dma_wait3A_349 = tpu.memref_slice %arg12[%dma_wait3A_348] : memref<1081344xf32, #tpu.memory_space<vmem_shared>> -> memref<2000xf32, #tpu.memory_space<vmem_shared>>
    tpu.wait_dma2 semaphore(%arg16 : memref<!tpu.dma_semaphore, #tpu.memory_space<semaphore_mem>>) src(%arg11 : memref<2000xf32, #tpu.memory_space<vmem>>) dst(%dma_wait3A_349 : memref<2000xf32, #tpu.memory_space<vmem_shared>>)
    %barrier3A_350 = arith.constant 0 : index
    tpu.barrier barrier_id(%barrier3A_350)
    %mul3A_351 = arith.constant 65 : i32
    %mul3A_352 = arith.muli %arg1, %mul3A_351 : i32
    %mul3A_353 = arith.constant 1024 : i32
    %mul3A_354 = arith.muli %mul3A_352, %mul3A_353 : i32
    %mul3A_355 = arith.constant 65 : i32
    %mul3A_356 = arith.muli %arg1, %mul3A_355 : i32
    %mul3A_357 = arith.constant 1024 : i32
    %mul3A_358 = arith.muli %mul3A_356, %mul3A_357 : i32
    %add3A_359 = arith.addi %mul3A_255, %mul3A_358 : i32
    %dma_start3A_360 = tpu.memref_slice %arg7[%add3A_359] : memref<10649600xf32, #tpu.memory_space<hbm>> -> memref<66560xf32, #tpu.memory_space<hbm>>
    %dma_start3A_361 = tpu.memref_slice %arg12[%mul3A_354] : memref<1081344xf32, #tpu.memory_space<vmem_shared>> -> memref<66560xf32, #tpu.memory_space<vmem_shared>>
    tpu.enqueue_dma source(%dma_start3A_361 : memref<66560xf32, #tpu.memory_space<vmem_shared>>) target(%dma_start3A_360 : memref<66560xf32, #tpu.memory_space<hbm>>) target_semaphore(%arg15 : memref<!tpu.dma_semaphore, #tpu.memory_space<semaphore_mem>>)
    %dma_wait3A_362 = tpu.memref_slice %arg7[%add3A_359] : memref<10649600xf32, #tpu.memory_space<hbm>> -> memref<66560xf32, #tpu.memory_space<hbm>>
    %dma_wait3A_363 = tpu.memref_slice %arg12[%mul3A_354] : memref<1081344xf32, #tpu.memory_space<vmem_shared>> -> memref<66560xf32, #tpu.memory_space<vmem_shared>>
    tpu.wait_dma2 semaphore(%arg15 : memref<!tpu.dma_semaphore, #tpu.memory_space<semaphore_mem>>) src(%dma_wait3A_363 : memref<66560xf32, #tpu.memory_space<vmem_shared>>) dst(%dma_wait3A_362 : memref<66560xf32, #tpu.memory_space<hbm>>)
    %barrier3A_364 = arith.constant 0 : index
    tpu.barrier barrier_id(%barrier3A_364)
    %mul3A_365 = arith.constant 5 : i32
    %mul3A_366 = arith.muli %arg0, %mul3A_365 : i32
    %add3A_367 = arith.constant 3 : i32
    %add3A_368 = arith.addi %mul3A_366, %add3A_367 : i32
    %mul3A_369 = arith.constant 1040 : i32
    %mul3A_370 = arith.muli %add3A_368, %mul3A_369 : i32
    %mul3A_371 = arith.constant 1024 : i32
    %mul3A_372 = arith.muli %mul3A_370, %mul3A_371 : i32
    %mul3A_373 = arith.constant 66 : i32
    %mul3A_374 = arith.muli %arg1, %mul3A_373 : i32
    %mul3A_375 = arith.constant 1024 : i32
    %mul3A_376 = arith.muli %mul3A_374, %mul3A_375 : i32
    %dma_start3A_377 = tpu.memref_slice %arg12[%mul3A_376] : memref<1081344xf32, #tpu.memory_space<vmem_shared>> -> memref<67584xf32, #tpu.memory_space<vmem_shared>>
    tpu.enqueue_dma source(%arg6 : memref<67584xf32, #tpu.memory_space<hbm>>) target(%dma_start3A_377 : memref<67584xf32, #tpu.memory_space<vmem_shared>>) target_semaphore(%arg15 : memref<!tpu.dma_semaphore, #tpu.memory_space<semaphore_mem>>)
    %scan3A_378 = arith.constant 0 : i32
    %scan3A_379 = arith.constant 0 : i32
    %scan3A_380 = arith.constant 1250 : i32
    %scan3A_381 = arith.addi %scan3A_379, %scan3A_380 : i32
    %scan3A_382 = arith.constant 1 : i32
    scf.for %scan3A_599 = %scan3A_379 to %scan3A_381 step %scan3A_382  : i32 {
      %mul3A_600 = arith.constant 16 : i32
      %mul3A_601 = arith.muli %scan3A_599, %mul3A_600 : i32
      %get3A = arith.index_cast %mul3A_601 : i32 to index
      %get3A_602 = tpu.vector_load %arg9[%get3A] {strides = array<i32>} : memref<20000xi32, #tpu.memory_space<vmem>>, vector<16xi32>,
      %get3A_603 = vector.shape_cast %get3A_602 : vector<16xi32> to vector<16xi32>
      %sub3A = vector.broadcast %mul3A_372 : i32 to vector<16xi32>
      %sub3A_604 = arith.subi %get3A_603, %sub3A : vector<16xi32>
      %get3A_605 = arith.index_cast %mul3A_601 : i32 to index
      %get3A_606 = tpu.vector_load %arg9[%get3A_605] {strides = array<i32>} : memref<20000xi32, #tpu.memory_space<vmem>>, vector<16xi32>,
      %get3A_607 = vector.shape_cast %get3A_606 : vector<16xi32> to vector<16xi32>
      %and3A = arith.constant 1023 : i32
      %and3A_608 = vector.broadcast %and3A : i32 to vector<16xi32>
      %and3A_609 = arith.andi %get3A_607, %and3A_608 : vector<16xi32>
      %add3A_610 = arith.constant 1064960 : i32
      %add3A_611 = vector.broadcast %add3A_610 : i32 to vector<16xi32>
      %add3A_612 = arith.addi %add3A_611, %and3A_609 : vector<16xi32>
      %ge3A = arith.constant 0 : i32
      %ge3A_613 = vector.broadcast %ge3A : i32 to vector<16xi32>
      %ge3A_614 = arith.cmpi sge, %sub3A_604, %ge3A_613 : vector<16xi32>
      %lt3A = arith.constant 1064960 : i32
      %lt3A_615 = vector.broadcast %lt3A : i32 to vector<16xi32>
      %lt3A_616 = arith.cmpi slt, %sub3A_604, %lt3A_615 : vector<16xi32>
      %and3A_617 = arith.andi %ge3A_614, %lt3A_616 : vector<16xi1>
      %select_n3A = arith.select %and3A_617, %sub3A_604, %add3A_612 : vector<16xi1>, vector<16xi32>
      %swap3A = arith.index_cast %mul3A_601 : i32 to index
      %swap3A_618 = tpu.vector_load %arg10[%swap3A] {strides = array<i32>} : memref<20000xi32, #tpu.memory_space<vmem>>, vector<16xi32>,
      %swap3A_619 = vector.shape_cast %swap3A_618 : vector<16xi32> to vector<16xi32>
      %swap3A_620 = vector.shape_cast %select_n3A : vector<16xi32> to vector<16xi32>
      tpu.vector_store %arg10[%swap3A], %swap3A_620 {strides = array<i32>} : memref<20000xi32, #tpu.memory_space<vmem>>, vector<16xi32>,
    }
    %scan3A_383 = arith.constant 1250 : i32
    %dma_wait3A_384 = arith.constant 0 : i32
    %dma_wait3A_385 = tpu.memref_slice %arg12[%dma_wait3A_384] : memref<1081344xf32, #tpu.memory_space<vmem_shared>> -> memref<67584xf32, #tpu.memory_space<vmem_shared>>
    tpu.wait_dma2 semaphore(%arg15 : memref<!tpu.dma_semaphore, #tpu.memory_space<semaphore_mem>>) src(%arg6 : memref<67584xf32, #tpu.memory_space<hbm>>) dst(%dma_wait3A_385 : memref<67584xf32, #tpu.memory_space<vmem_shared>>)
    %barrier3A_386 = arith.constant 0 : index
    tpu.barrier barrier_id(%barrier3A_386)
    %dma_start3A_387 = arith.constant 0 : i32
    %dma_start3A_388 = tpu.memref_slice %arg10[%dma_start3A_387] : memref<20000xi32, #tpu.memory_space<vmem>> -> memref<2000xi32, #tpu.memory_space<vmem>>
    %dma_start3A_389 = arith.constant 0 : i32
    %dma_start3A_390 = tpu.memref_slice %arg12[%dma_start3A_389] : memref<1081344xf32, #tpu.memory_space<vmem_shared>> -> memref<1081344xf32, #tpu.memory_space<vmem_shared>>
    tpu.enqueue_indirect_dma source(%arg11 : memref<2000xf32, #tpu.memory_space<vmem>>) target(%dma_start3A_390 : memref<1081344xf32, #tpu.memory_space<vmem_shared>>) offsets(%dma_start3A_388 : memref<2000xi32, #tpu.memory_space<vmem>>) semaphore(%arg16 : memref<!tpu.dma_semaphore, #tpu.memory_space<semaphore_mem>>) {add = true}
    %dma_start3A_391 = arith.constant 2000 : i32
    %dma_start3A_392 = tpu.memref_slice %arg10[%dma_start3A_391] : memref<20000xi32, #tpu.memory_space<vmem>> -> memref<2000xi32, #tpu.memory_space<vmem>>
    %dma_start3A_393 = arith.constant 0 : i32
    %dma_start3A_394 = tpu.memref_slice %arg12[%dma_start3A_393] : memref<1081344xf32, #tpu.memory_space<vmem_shared>> -> memref<1081344xf32, #tpu.memory_space<vmem_shared>>
    tpu.enqueue_indirect_dma source(%arg11 : memref<2000xf32, #tpu.memory_space<vmem>>) target(%dma_start3A_394 : memref<1081344xf32, #tpu.memory_space<vmem_shared>>) offsets(%dma_start3A_392 : memref<2000xi32, #tpu.memory_space<vmem>>) semaphore(%arg16 : memref<!tpu.dma_semaphore, #tpu.memory_space<semaphore_mem>>) {add = true}
    %dma_start3A_395 = arith.constant 4000 : i32
    %dma_start3A_396 = tpu.memref_slice %arg10[%dma_start3A_395] : memref<20000xi32, #tpu.memory_space<vmem>> -> memref<2000xi32, #tpu.memory_space<vmem>>
    %dma_start3A_397 = arith.constant 0 : i32
    %dma_start3A_398 = tpu.memref_slice %arg12[%dma_start3A_397] : memref<1081344xf32, #tpu.memory_space<vmem_shared>> -> memref<1081344xf32, #tpu.memory_space<vmem_shared>>
    tpu.enqueue_indirect_dma source(%arg11 : memref<2000xf32, #tpu.memory_space<vmem>>) target(%dma_start3A_398 : memref<1081344xf32, #tpu.memory_space<vmem_shared>>) offsets(%dma_start3A_396 : memref<2000xi32, #tpu.memory_space<vmem>>) semaphore(%arg16 : memref<!tpu.dma_semaphore, #tpu.memory_space<semaphore_mem>>) {add = true}
    %dma_start3A_399 = arith.constant 6000 : i32
    %dma_start3A_400 = tpu.memref_slice %arg10[%dma_start3A_399] : memref<20000xi32, #tpu.memory_space<vmem>> -> memref<2000xi32, #tpu.memory_space<vmem>>
    %dma_start3A_401 = arith.constant 0 : i32
    %dma_start3A_402 = tpu.memref_slice %arg12[%dma_start3A_401] : memref<1081344xf32, #tpu.memory_space<vmem_shared>> -> memref<1081344xf32, #tpu.memory_space<vmem_shared>>
    tpu.enqueue_indirect_dma source(%arg11 : memref<2000xf32, #tpu.memory_space<vmem>>) target(%dma_start3A_402 : memref<1081344xf32, #tpu.memory_space<vmem_shared>>) offsets(%dma_start3A_400 : memref<2000xi32, #tpu.memory_space<vmem>>) semaphore(%arg16 : memref<!tpu.dma_semaphore, #tpu.memory_space<semaphore_mem>>) {add = true}
    %dma_wait3A_403 = arith.constant 0 : i32
    %dma_wait3A_404 = tpu.memref_slice %arg12[%dma_wait3A_403] : memref<1081344xf32, #tpu.memory_space<vmem_shared>> -> memref<2000xf32, #tpu.memory_space<vmem_shared>>
    %dma_wait3A_405 = arith.constant 0 : i32
    %dma_wait3A_406 = tpu.memref_slice %arg12[%dma_wait3A_405] : memref<1081344xf32, #tpu.memory_space<vmem_shared>> -> memref<2000xf32, #tpu.memory_space<vmem_shared>>
    tpu.wait_dma2 semaphore(%arg16 : memref<!tpu.dma_semaphore, #tpu.memory_space<semaphore_mem>>) src(%arg11 : memref<2000xf32, #tpu.memory_space<vmem>>) dst(%dma_wait3A_406 : memref<2000xf32, #tpu.memory_space<vmem_shared>>)
    %dma_start3A_407 = arith.constant 8000 : i32
    %dma_start3A_408 = tpu.memref_slice %arg10[%dma_start3A_407] : memref<20000xi32, #tpu.memory_space<vmem>> -> memref<2000xi32, #tpu.memory_space<vmem>>
    %dma_start3A_409 = arith.constant 0 : i32
    %dma_start3A_410 = tpu.memref_slice %arg12[%dma_start3A_409] : memref<1081344xf32, #tpu.memory_space<vmem_shared>> -> memref<1081344xf32, #tpu.memory_space<vmem_shared>>
    tpu.enqueue_indirect_dma source(%arg11 : memref<2000xf32, #tpu.memory_space<vmem>>) target(%dma_start3A_410 : memref<1081344xf32, #tpu.memory_space<vmem_shared>>) offsets(%dma_start3A_408 : memref<2000xi32, #tpu.memory_space<vmem>>) semaphore(%arg16 : memref<!tpu.dma_semaphore, #tpu.memory_space<semaphore_mem>>) {add = true}
    %dma_wait3A_411 = arith.constant 0 : i32
    %dma_wait3A_412 = tpu.memref_slice %arg12[%dma_wait3A_411] : memref<1081344xf32, #tpu.memory_space<vmem_shared>> -> memref<2000xf32, #tpu.memory_space<vmem_shared>>
    %dma_wait3A_413 = arith.constant 0 : i32
    %dma_wait3A_414 = tpu.memref_slice %arg12[%dma_wait3A_413] : memref<1081344xf32, #tpu.memory_space<vmem_shared>> -> memref<2000xf32, #tpu.memory_space<vmem_shared>>
    tpu.wait_dma2 semaphore(%arg16 : memref<!tpu.dma_semaphore, #tpu.memory_space<semaphore_mem>>) src(%arg11 : memref<2000xf32, #tpu.memory_space<vmem>>) dst(%dma_wait3A_414 : memref<2000xf32, #tpu.memory_space<vmem_shared>>)
    %dma_start3A_415 = arith.constant 10000 : i32
    %dma_start3A_416 = tpu.memref_slice %arg10[%dma_start3A_415] : memref<20000xi32, #tpu.memory_space<vmem>> -> memref<2000xi32, #tpu.memory_space<vmem>>
    %dma_start3A_417 = arith.constant 0 : i32
    %dma_start3A_418 = tpu.memref_slice %arg12[%dma_start3A_417] : memref<1081344xf32, #tpu.memory_space<vmem_shared>> -> memref<1081344xf32, #tpu.memory_space<vmem_shared>>
    tpu.enqueue_indirect_dma source(%arg11 : memref<2000xf32, #tpu.memory_space<vmem>>) target(%dma_start3A_418 : memref<1081344xf32, #tpu.memory_space<vmem_shared>>) offsets(%dma_start3A_416 : memref<2000xi32, #tpu.memory_space<vmem>>) semaphore(%arg16 : memref<!tpu.dma_semaphore, #tpu.memory_space<semaphore_mem>>) {add = true}
    %dma_wait3A_419 = arith.constant 0 : i32
    %dma_wait3A_420 = tpu.memref_slice %arg12[%dma_wait3A_419] : memref<1081344xf32, #tpu.memory_space<vmem_shared>> -> memref<2000xf32, #tpu.memory_space<vmem_shared>>
    %dma_wait3A_421 = arith.constant 0 : i32
    %dma_wait3A_422 = tpu.memref_slice %arg12[%dma_wait3A_421] : memref<1081344xf32, #tpu.memory_space<vmem_shared>> -> memref<2000xf32, #tpu.memory_space<vmem_shared>>
    tpu.wait_dma2 semaphore(%arg16 : memref<!tpu.dma_semaphore, #tpu.memory_space<semaphore_mem>>) src(%arg11 : memref<2000xf32, #tpu.memory_space<vmem>>) dst(%dma_wait3A_422 : memref<2000xf32, #tpu.memory_space<vmem_shared>>)
    %dma_start3A_423 = arith.constant 12000 : i32
    %dma_start3A_424 = tpu.memref_slice %arg10[%dma_start3A_423] : memref<20000xi32, #tpu.memory_space<vmem>> -> memref<2000xi32, #tpu.memory_space<vmem>>
    %dma_start3A_425 = arith.constant 0 : i32
    %dma_start3A_426 = tpu.memref_slice %arg12[%dma_start3A_425] : memref<1081344xf32, #tpu.memory_space<vmem_shared>> -> memref<1081344xf32, #tpu.memory_space<vmem_shared>>
    tpu.enqueue_indirect_dma source(%arg11 : memref<2000xf32, #tpu.memory_space<vmem>>) target(%dma_start3A_426 : memref<1081344xf32, #tpu.memory_space<vmem_shared>>) offsets(%dma_start3A_424 : memref<2000xi32, #tpu.memory_space<vmem>>) semaphore(%arg16 : memref<!tpu.dma_semaphore, #tpu.memory_space<semaphore_mem>>) {add = true}
    %dma_wait3A_427 = arith.constant 0 : i32
    %dma_wait3A_428 = tpu.memref_slice %arg12[%dma_wait3A_427] : memref<1081344xf32, #tpu.memory_space<vmem_shared>> -> memref<2000xf32, #tpu.memory_space<vmem_shared>>
    %dma_wait3A_429 = arith.constant 0 : i32
    %dma_wait3A_430 = tpu.memref_slice %arg12[%dma_wait3A_429] : memref<1081344xf32, #tpu.memory_space<vmem_shared>> -> memref<2000xf32, #tpu.memory_space<vmem_shared>>
    tpu.wait_dma2 semaphore(%arg16 : memref<!tpu.dma_semaphore, #tpu.memory_space<semaphore_mem>>) src(%arg11 : memref<2000xf32, #tpu.memory_space<vmem>>) dst(%dma_wait3A_430 : memref<2000xf32, #tpu.memory_space<vmem_shared>>)
    %dma_start3A_431 = arith.constant 14000 : i32
    %dma_start3A_432 = tpu.memref_slice %arg10[%dma_start3A_431] : memref<20000xi32, #tpu.memory_space<vmem>> -> memref<2000xi32, #tpu.memory_space<vmem>>
    %dma_start3A_433 = arith.constant 0 : i32
    %dma_start3A_434 = tpu.memref_slice %arg12[%dma_start3A_433] : memref<1081344xf32, #tpu.memory_space<vmem_shared>> -> memref<1081344xf32, #tpu.memory_space<vmem_shared>>
    tpu.enqueue_indirect_dma source(%arg11 : memref<2000xf32, #tpu.memory_space<vmem>>) target(%dma_start3A_434 : memref<1081344xf32, #tpu.memory_space<vmem_shared>>) offsets(%dma_start3A_432 : memref<2000xi32, #tpu.memory_space<vmem>>) semaphore(%arg16 : memref<!tpu.dma_semaphore, #tpu.memory_space<semaphore_mem>>) {add = true}
    %dma_wait3A_435 = arith.constant 0 : i32
    %dma_wait3A_436 = tpu.memref_slice %arg12[%dma_wait3A_435] : memref<1081344xf32, #tpu.memory_space<vmem_shared>> -> memref<2000xf32, #tpu.memory_space<vmem_shared>>
    %dma_wait3A_437 = arith.constant 0 : i32
    %dma_wait3A_438 = tpu.memref_slice %arg12[%dma_wait3A_437] : memref<1081344xf32, #tpu.memory_space<vmem_shared>> -> memref<2000xf32, #tpu.memory_space<vmem_shared>>
    tpu.wait_dma2 semaphore(%arg16 : memref<!tpu.dma_semaphore, #tpu.memory_space<semaphore_mem>>) src(%arg11 : memref<2000xf32, #tpu.memory_space<vmem>>) dst(%dma_wait3A_438 : memref<2000xf32, #tpu.memory_space<vmem_shared>>)
    %dma_start3A_439 = arith.constant 16000 : i32
    %dma_start3A_440 = tpu.memref_slice %arg10[%dma_start3A_439] : memref<20000xi32, #tpu.memory_space<vmem>> -> memref<2000xi32, #tpu.memory_space<vmem>>
    %dma_start3A_441 = arith.constant 0 : i32
    %dma_start3A_442 = tpu.memref_slice %arg12[%dma_start3A_441] : memref<1081344xf32, #tpu.memory_space<vmem_shared>> -> memref<1081344xf32, #tpu.memory_space<vmem_shared>>
    tpu.enqueue_indirect_dma source(%arg11 : memref<2000xf32, #tpu.memory_space<vmem>>) target(%dma_start3A_442 : memref<1081344xf32, #tpu.memory_space<vmem_shared>>) offsets(%dma_start3A_440 : memref<2000xi32, #tpu.memory_space<vmem>>) semaphore(%arg16 : memref<!tpu.dma_semaphore, #tpu.memory_space<semaphore_mem>>) {add = true}
    %dma_wait3A_443 = arith.constant 0 : i32
    %dma_wait3A_444 = tpu.memref_slice %arg12[%dma_wait3A_443] : memref<1081344xf32, #tpu.memory_space<vmem_shared>> -> memref<2000xf32, #tpu.memory_space<vmem_shared>>
    %dma_wait3A_445 = arith.constant 0 : i32
    %dma_wait3A_446 = tpu.memref_slice %arg12[%dma_wait3A_445] : memref<1081344xf32, #tpu.memory_space<vmem_shared>> -> memref<2000xf32, #tpu.memory_space<vmem_shared>>
    tpu.wait_dma2 semaphore(%arg16 : memref<!tpu.dma_semaphore, #tpu.memory_space<semaphore_mem>>) src(%arg11 : memref<2000xf32, #tpu.memory_space<vmem>>) dst(%dma_wait3A_446 : memref<2000xf32, #tpu.memory_space<vmem_shared>>)
    %dma_start3A_447 = arith.constant 18000 : i32
    %dma_start3A_448 = tpu.memref_slice %arg10[%dma_start3A_447] : memref<20000xi32, #tpu.memory_space<vmem>> -> memref<2000xi32, #tpu.memory_space<vmem>>
    %dma_start3A_449 = arith.constant 0 : i32
    %dma_start3A_450 = tpu.memref_slice %arg12[%dma_start3A_449] : memref<1081344xf32, #tpu.memory_space<vmem_shared>> -> memref<1081344xf32, #tpu.memory_space<vmem_shared>>
    tpu.enqueue_indirect_dma source(%arg11 : memref<2000xf32, #tpu.memory_space<vmem>>) target(%dma_start3A_450 : memref<1081344xf32, #tpu.memory_space<vmem_shared>>) offsets(%dma_start3A_448 : memref<2000xi32, #tpu.memory_space<vmem>>) semaphore(%arg16 : memref<!tpu.dma_semaphore, #tpu.memory_space<semaphore_mem>>) {add = true}
    %dma_wait3A_451 = arith.constant 0 : i32
    %dma_wait3A_452 = tpu.memref_slice %arg12[%dma_wait3A_451] : memref<1081344xf32, #tpu.memory_space<vmem_shared>> -> memref<2000xf32, #tpu.memory_space<vmem_shared>>
    %dma_wait3A_453 = arith.constant 0 : i32
    %dma_wait3A_454 = tpu.memref_slice %arg12[%dma_wait3A_453] : memref<1081344xf32, #tpu.memory_space<vmem_shared>> -> memref<2000xf32, #tpu.memory_space<vmem_shared>>
    tpu.wait_dma2 semaphore(%arg16 : memref<!tpu.dma_semaphore, #tpu.memory_space<semaphore_mem>>) src(%arg11 : memref<2000xf32, #tpu.memory_space<vmem>>) dst(%dma_wait3A_454 : memref<2000xf32, #tpu.memory_space<vmem_shared>>)
    %dma_wait3A_455 = arith.constant 0 : i32
    %dma_wait3A_456 = tpu.memref_slice %arg12[%dma_wait3A_455] : memref<1081344xf32, #tpu.memory_space<vmem_shared>> -> memref<2000xf32, #tpu.memory_space<vmem_shared>>
    %dma_wait3A_457 = arith.constant 0 : i32
    %dma_wait3A_458 = tpu.memref_slice %arg12[%dma_wait3A_457] : memref<1081344xf32, #tpu.memory_space<vmem_shared>> -> memref<2000xf32, #tpu.memory_space<vmem_shared>>
    tpu.wait_dma2 semaphore(%arg16 : memref<!tpu.dma_semaphore, #tpu.memory_space<semaphore_mem>>) src(%arg11 : memref<2000xf32, #tpu.memory_space<vmem>>) dst(%dma_wait3A_458 : memref<2000xf32, #tpu.memory_space<vmem_shared>>)
    %dma_wait3A_459 = arith.constant 0 : i32
    %dma_wait3A_460 = tpu.memref_slice %arg12[%dma_wait3A_459] : memref<1081344xf32, #tpu.memory_space<vmem_shared>> -> memref<2000xf32, #tpu.memory_space<vmem_shared>>
    %dma_wait3A_461 = arith.constant 0 : i32
    %dma_wait3A_462 = tpu.memref_slice %arg12[%dma_wait3A_461] : memref<1081344xf32, #tpu.memory_space<vmem_shared>> -> memref<2000xf32, #tpu.memory_space<vmem_shared>>
    tpu.wait_dma2 semaphore(%arg16 : memref<!tpu.dma_semaphore, #tpu.memory_space<semaphore_mem>>) src(%arg11 : memref<2000xf32, #tpu.memory_space<vmem>>) dst(%dma_wait3A_462 : memref<2000xf32, #tpu.memory_space<vmem_shared>>)
    %dma_wait3A_463 = arith.constant 0 : i32
    %dma_wait3A_464 = tpu.memref_slice %arg12[%dma_wait3A_463] : memref<1081344xf32, #tpu.memory_space<vmem_shared>> -> memref<2000xf32, #tpu.memory_space<vmem_shared>>
    %dma_wait3A_465 = arith.constant 0 : i32
    %dma_wait3A_466 = tpu.memref_slice %arg12[%dma_wait3A_465] : memref<1081344xf32, #tpu.memory_space<vmem_shared>> -> memref<2000xf32, #tpu.memory_space<vmem_shared>>
    tpu.wait_dma2 semaphore(%arg16 : memref<!tpu.dma_semaphore, #tpu.memory_space<semaphore_mem>>) src(%arg11 : memref<2000xf32, #tpu.memory_space<vmem>>) dst(%dma_wait3A_466 : memref<2000xf32, #tpu.memory_space<vmem_shared>>)
    %barrier3A_467 = arith.constant 0 : index
    tpu.barrier barrier_id(%barrier3A_467)
    %mul3A_468 = arith.constant 65 : i32
    %mul3A_469 = arith.muli %arg1, %mul3A_468 : i32
    %mul3A_470 = arith.constant 1024 : i32
    %mul3A_471 = arith.muli %mul3A_469, %mul3A_470 : i32
    %mul3A_472 = arith.constant 65 : i32
    %mul3A_473 = arith.muli %arg1, %mul3A_472 : i32
    %mul3A_474 = arith.constant 1024 : i32
    %mul3A_475 = arith.muli %mul3A_473, %mul3A_474 : i32
    %add3A_476 = arith.addi %mul3A_372, %mul3A_475 : i32
    %dma_start3A_477 = tpu.memref_slice %arg7[%add3A_476] : memref<10649600xf32, #tpu.memory_space<hbm>> -> memref<66560xf32, #tpu.memory_space<hbm>>
    %dma_start3A_478 = tpu.memref_slice %arg12[%mul3A_471] : memref<1081344xf32, #tpu.memory_space<vmem_shared>> -> memref<66560xf32, #tpu.memory_space<vmem_shared>>
    tpu.enqueue_dma source(%dma_start3A_478 : memref<66560xf32, #tpu.memory_space<vmem_shared>>) target(%dma_start3A_477 : memref<66560xf32, #tpu.memory_space<hbm>>) target_semaphore(%arg15 : memref<!tpu.dma_semaphore, #tpu.memory_space<semaphore_mem>>)
    %dma_wait3A_479 = tpu.memref_slice %arg7[%add3A_476] : memref<10649600xf32, #tpu.memory_space<hbm>> -> memref<66560xf32, #tpu.memory_space<hbm>>
    %dma_wait3A_480 = tpu.memref_slice %arg12[%mul3A_471] : memref<1081344xf32, #tpu.memory_space<vmem_shared>> -> memref<66560xf32, #tpu.memory_space<vmem_shared>>
    tpu.wait_dma2 semaphore(%arg15 : memref<!tpu.dma_semaphore, #tpu.memory_space<semaphore_mem>>) src(%dma_wait3A_480 : memref<66560xf32, #tpu.memory_space<vmem_shared>>) dst(%dma_wait3A_479 : memref<66560xf32, #tpu.memory_space<hbm>>)
    %barrier3A_481 = arith.constant 0 : index
    tpu.barrier barrier_id(%barrier3A_481)
    %mul3A_482 = arith.constant 5 : i32
    %mul3A_483 = arith.muli %arg0, %mul3A_482 : i32
    %add3A_484 = arith.constant 4 : i32
    %add3A_485 = arith.addi %mul3A_483, %add3A_484 : i32
    %mul3A_486 = arith.constant 1040 : i32
    %mul3A_487 = arith.muli %add3A_485, %mul3A_486 : i32
    %mul3A_488 = arith.constant 1024 : i32
    %mul3A_489 = arith.muli %mul3A_487, %mul3A_488 : i32
    %mul3A_490 = arith.constant 66 : i32
    %mul3A_491 = arith.muli %arg1, %mul3A_490 : i32
    %mul3A_492 = arith.constant 1024 : i32
    %mul3A_493 = arith.muli %mul3A_491, %mul3A_492 : i32
    %dma_start3A_494 = tpu.memref_slice %arg12[%mul3A_493] : memref<1081344xf32, #tpu.memory_space<vmem_shared>> -> memref<67584xf32, #tpu.memory_space<vmem_shared>>
    tpu.enqueue_dma source(%arg6 : memref<67584xf32, #tpu.memory_space<hbm>>) target(%dma_start3A_494 : memref<67584xf32, #tpu.memory_space<vmem_shared>>) target_semaphore(%arg15 : memref<!tpu.dma_semaphore, #tpu.memory_space<semaphore_mem>>)
    %scan3A_495 = arith.constant 0 : i32
    %scan3A_496 = arith.constant 0 : i32
    %scan3A_497 = arith.constant 1250 : i32
    %scan3A_498 = arith.addi %scan3A_496, %scan3A_497 : i32
    %scan3A_499 = arith.constant 1 : i32
    scf.for %scan3A_599 = %scan3A_496 to %scan3A_498 step %scan3A_499  : i32 {
      %mul3A_600 = arith.constant 16 : i32
      %mul3A_601 = arith.muli %scan3A_599, %mul3A_600 : i32
      %get3A = arith.index_cast %mul3A_601 : i32 to index
      %get3A_602 = tpu.vector_load %arg9[%get3A] {strides = array<i32>} : memref<20000xi32, #tpu.memory_space<vmem>>, vector<16xi32>,
      %get3A_603 = vector.shape_cast %get3A_602 : vector<16xi32> to vector<16xi32>
      %sub3A = vector.broadcast %mul3A_489 : i32 to vector<16xi32>
      %sub3A_604 = arith.subi %get3A_603, %sub3A : vector<16xi32>
      %get3A_605 = arith.index_cast %mul3A_601 : i32 to index
      %get3A_606 = tpu.vector_load %arg9[%get3A_605] {strides = array<i32>} : memref<20000xi32, #tpu.memory_space<vmem>>, vector<16xi32>,
      %get3A_607 = vector.shape_cast %get3A_606 : vector<16xi32> to vector<16xi32>
      %and3A = arith.constant 1023 : i32
      %and3A_608 = vector.broadcast %and3A : i32 to vector<16xi32>
      %and3A_609 = arith.andi %get3A_607, %and3A_608 : vector<16xi32>
      %add3A_610 = arith.constant 1064960 : i32
      %add3A_611 = vector.broadcast %add3A_610 : i32 to vector<16xi32>
      %add3A_612 = arith.addi %add3A_611, %and3A_609 : vector<16xi32>
      %ge3A = arith.constant 0 : i32
      %ge3A_613 = vector.broadcast %ge3A : i32 to vector<16xi32>
      %ge3A_614 = arith.cmpi sge, %sub3A_604, %ge3A_613 : vector<16xi32>
      %lt3A = arith.constant 1064960 : i32
      %lt3A_615 = vector.broadcast %lt3A : i32 to vector<16xi32>
      %lt3A_616 = arith.cmpi slt, %sub3A_604, %lt3A_615 : vector<16xi32>
      %and3A_617 = arith.andi %ge3A_614, %lt3A_616 : vector<16xi1>
      %select_n3A = arith.select %and3A_617, %sub3A_604, %add3A_612 : vector<16xi1>, vector<16xi32>
      %swap3A = arith.index_cast %mul3A_601 : i32 to index
      %swap3A_618 = tpu.vector_load %arg10[%swap3A] {strides = array<i32>} : memref<20000xi32, #tpu.memory_space<vmem>>, vector<16xi32>,
      %swap3A_619 = vector.shape_cast %swap3A_618 : vector<16xi32> to vector<16xi32>
      %swap3A_620 = vector.shape_cast %select_n3A : vector<16xi32> to vector<16xi32>
      tpu.vector_store %arg10[%swap3A], %swap3A_620 {strides = array<i32>} : memref<20000xi32, #tpu.memory_space<vmem>>, vector<16xi32>,
    }
    %scan3A_500 = arith.constant 1250 : i32
    %dma_wait3A_501 = arith.constant 0 : i32
    %dma_wait3A_502 = tpu.memref_slice %arg12[%dma_wait3A_501] : memref<1081344xf32, #tpu.memory_space<vmem_shared>> -> memref<67584xf32, #tpu.memory_space<vmem_shared>>
    tpu.wait_dma2 semaphore(%arg15 : memref<!tpu.dma_semaphore, #tpu.memory_space<semaphore_mem>>) src(%arg6 : memref<67584xf32, #tpu.memory_space<hbm>>) dst(%dma_wait3A_502 : memref<67584xf32, #tpu.memory_space<vmem_shared>>)
    %barrier3A_503 = arith.constant 0 : index
    tpu.barrier barrier_id(%barrier3A_503)
    %dma_start3A_504 = arith.constant 0 : i32
    %dma_start3A_505 = tpu.memref_slice %arg10[%dma_start3A_504] : memref<20000xi32, #tpu.memory_space<vmem>> -> memref<2000xi32, #tpu.memory_space<vmem>>
    %dma_start3A_506 = arith.constant 0 : i32
    %dma_start3A_507 = tpu.memref_slice %arg12[%dma_start3A_506] : memref<1081344xf32, #tpu.memory_space<vmem_shared>> -> memref<1081344xf32, #tpu.memory_space<vmem_shared>>
    tpu.enqueue_indirect_dma source(%arg11 : memref<2000xf32, #tpu.memory_space<vmem>>) target(%dma_start3A_507 : memref<1081344xf32, #tpu.memory_space<vmem_shared>>) offsets(%dma_start3A_505 : memref<2000xi32, #tpu.memory_space<vmem>>) semaphore(%arg16 : memref<!tpu.dma_semaphore, #tpu.memory_space<semaphore_mem>>) {add = true}
    %dma_start3A_508 = arith.constant 2000 : i32
    %dma_start3A_509 = tpu.memref_slice %arg10[%dma_start3A_508] : memref<20000xi32, #tpu.memory_space<vmem>> -> memref<2000xi32, #tpu.memory_space<vmem>>
    %dma_start3A_510 = arith.constant 0 : i32
    %dma_start3A_511 = tpu.memref_slice %arg12[%dma_start3A_510] : memref<1081344xf32, #tpu.memory_space<vmem_shared>> -> memref<1081344xf32, #tpu.memory_space<vmem_shared>>
    tpu.enqueue_indirect_dma source(%arg11 : memref<2000xf32, #tpu.memory_space<vmem>>) target(%dma_start3A_511 : memref<1081344xf32, #tpu.memory_space<vmem_shared>>) offsets(%dma_start3A_509 : memref<2000xi32, #tpu.memory_space<vmem>>) semaphore(%arg16 : memref<!tpu.dma_semaphore, #tpu.memory_space<semaphore_mem>>) {add = true}
    %dma_start3A_512 = arith.constant 4000 : i32
    %dma_start3A_513 = tpu.memref_slice %arg10[%dma_start3A_512] : memref<20000xi32, #tpu.memory_space<vmem>> -> memref<2000xi32, #tpu.memory_space<vmem>>
    %dma_start3A_514 = arith.constant 0 : i32
    %dma_start3A_515 = tpu.memref_slice %arg12[%dma_start3A_514] : memref<1081344xf32, #tpu.memory_space<vmem_shared>> -> memref<1081344xf32, #tpu.memory_space<vmem_shared>>
    tpu.enqueue_indirect_dma source(%arg11 : memref<2000xf32, #tpu.memory_space<vmem>>) target(%dma_start3A_515 : memref<1081344xf32, #tpu.memory_space<vmem_shared>>) offsets(%dma_start3A_513 : memref<2000xi32, #tpu.memory_space<vmem>>) semaphore(%arg16 : memref<!tpu.dma_semaphore, #tpu.memory_space<semaphore_mem>>) {add = true}
    %dma_start3A_516 = arith.constant 6000 : i32
    %dma_start3A_517 = tpu.memref_slice %arg10[%dma_start3A_516] : memref<20000xi32, #tpu.memory_space<vmem>> -> memref<2000xi32, #tpu.memory_space<vmem>>
    %dma_start3A_518 = arith.constant 0 : i32
    %dma_start3A_519 = tpu.memref_slice %arg12[%dma_start3A_518] : memref<1081344xf32, #tpu.memory_space<vmem_shared>> -> memref<1081344xf32, #tpu.memory_space<vmem_shared>>
    tpu.enqueue_indirect_dma source(%arg11 : memref<2000xf32, #tpu.memory_space<vmem>>) target(%dma_start3A_519 : memref<1081344xf32, #tpu.memory_space<vmem_shared>>) offsets(%dma_start3A_517 : memref<2000xi32, #tpu.memory_space<vmem>>) semaphore(%arg16 : memref<!tpu.dma_semaphore, #tpu.memory_space<semaphore_mem>>) {add = true}
    %dma_wait3A_520 = arith.constant 0 : i32
    %dma_wait3A_521 = tpu.memref_slice %arg12[%dma_wait3A_520] : memref<1081344xf32, #tpu.memory_space<vmem_shared>> -> memref<2000xf32, #tpu.memory_space<vmem_shared>>
    %dma_wait3A_522 = arith.constant 0 : i32
    %dma_wait3A_523 = tpu.memref_slice %arg12[%dma_wait3A_522] : memref<1081344xf32, #tpu.memory_space<vmem_shared>> -> memref<2000xf32, #tpu.memory_space<vmem_shared>>
    tpu.wait_dma2 semaphore(%arg16 : memref<!tpu.dma_semaphore, #tpu.memory_space<semaphore_mem>>) src(%arg11 : memref<2000xf32, #tpu.memory_space<vmem>>) dst(%dma_wait3A_523 : memref<2000xf32, #tpu.memory_space<vmem_shared>>)
    %dma_start3A_524 = arith.constant 8000 : i32
    %dma_start3A_525 = tpu.memref_slice %arg10[%dma_start3A_524] : memref<20000xi32, #tpu.memory_space<vmem>> -> memref<2000xi32, #tpu.memory_space<vmem>>
    %dma_start3A_526 = arith.constant 0 : i32
    %dma_start3A_527 = tpu.memref_slice %arg12[%dma_start3A_526] : memref<1081344xf32, #tpu.memory_space<vmem_shared>> -> memref<1081344xf32, #tpu.memory_space<vmem_shared>>
    tpu.enqueue_indirect_dma source(%arg11 : memref<2000xf32, #tpu.memory_space<vmem>>) target(%dma_start3A_527 : memref<1081344xf32, #tpu.memory_space<vmem_shared>>) offsets(%dma_start3A_525 : memref<2000xi32, #tpu.memory_space<vmem>>) semaphore(%arg16 : memref<!tpu.dma_semaphore, #tpu.memory_space<semaphore_mem>>) {add = true}
    %dma_wait3A_528 = arith.constant 0 : i32
    %dma_wait3A_529 = tpu.memref_slice %arg12[%dma_wait3A_528] : memref<1081344xf32, #tpu.memory_space<vmem_shared>> -> memref<2000xf32, #tpu.memory_space<vmem_shared>>
    %dma_wait3A_530 = arith.constant 0 : i32
    %dma_wait3A_531 = tpu.memref_slice %arg12[%dma_wait3A_530] : memref<1081344xf32, #tpu.memory_space<vmem_shared>> -> memref<2000xf32, #tpu.memory_space<vmem_shared>>
    tpu.wait_dma2 semaphore(%arg16 : memref<!tpu.dma_semaphore, #tpu.memory_space<semaphore_mem>>) src(%arg11 : memref<2000xf32, #tpu.memory_space<vmem>>) dst(%dma_wait3A_531 : memref<2000xf32, #tpu.memory_space<vmem_shared>>)
    %dma_start3A_532 = arith.constant 10000 : i32
    %dma_start3A_533 = tpu.memref_slice %arg10[%dma_start3A_532] : memref<20000xi32, #tpu.memory_space<vmem>> -> memref<2000xi32, #tpu.memory_space<vmem>>
    %dma_start3A_534 = arith.constant 0 : i32
    %dma_start3A_535 = tpu.memref_slice %arg12[%dma_start3A_534] : memref<1081344xf32, #tpu.memory_space<vmem_shared>> -> memref<1081344xf32, #tpu.memory_space<vmem_shared>>
    tpu.enqueue_indirect_dma source(%arg11 : memref<2000xf32, #tpu.memory_space<vmem>>) target(%dma_start3A_535 : memref<1081344xf32, #tpu.memory_space<vmem_shared>>) offsets(%dma_start3A_533 : memref<2000xi32, #tpu.memory_space<vmem>>) semaphore(%arg16 : memref<!tpu.dma_semaphore, #tpu.memory_space<semaphore_mem>>) {add = true}
    %dma_wait3A_536 = arith.constant 0 : i32
    %dma_wait3A_537 = tpu.memref_slice %arg12[%dma_wait3A_536] : memref<1081344xf32, #tpu.memory_space<vmem_shared>> -> memref<2000xf32, #tpu.memory_space<vmem_shared>>
    %dma_wait3A_538 = arith.constant 0 : i32
    %dma_wait3A_539 = tpu.memref_slice %arg12[%dma_wait3A_538] : memref<1081344xf32, #tpu.memory_space<vmem_shared>> -> memref<2000xf32, #tpu.memory_space<vmem_shared>>
    tpu.wait_dma2 semaphore(%arg16 : memref<!tpu.dma_semaphore, #tpu.memory_space<semaphore_mem>>) src(%arg11 : memref<2000xf32, #tpu.memory_space<vmem>>) dst(%dma_wait3A_539 : memref<2000xf32, #tpu.memory_space<vmem_shared>>)
    %dma_start3A_540 = arith.constant 12000 : i32
    %dma_start3A_541 = tpu.memref_slice %arg10[%dma_start3A_540] : memref<20000xi32, #tpu.memory_space<vmem>> -> memref<2000xi32, #tpu.memory_space<vmem>>
    %dma_start3A_542 = arith.constant 0 : i32
    %dma_start3A_543 = tpu.memref_slice %arg12[%dma_start3A_542] : memref<1081344xf32, #tpu.memory_space<vmem_shared>> -> memref<1081344xf32, #tpu.memory_space<vmem_shared>>
    tpu.enqueue_indirect_dma source(%arg11 : memref<2000xf32, #tpu.memory_space<vmem>>) target(%dma_start3A_543 : memref<1081344xf32, #tpu.memory_space<vmem_shared>>) offsets(%dma_start3A_541 : memref<2000xi32, #tpu.memory_space<vmem>>) semaphore(%arg16 : memref<!tpu.dma_semaphore, #tpu.memory_space<semaphore_mem>>) {add = true}
    %dma_wait3A_544 = arith.constant 0 : i32
    %dma_wait3A_545 = tpu.memref_slice %arg12[%dma_wait3A_544] : memref<1081344xf32, #tpu.memory_space<vmem_shared>> -> memref<2000xf32, #tpu.memory_space<vmem_shared>>
    %dma_wait3A_546 = arith.constant 0 : i32
    %dma_wait3A_547 = tpu.memref_slice %arg12[%dma_wait3A_546] : memref<1081344xf32, #tpu.memory_space<vmem_shared>> -> memref<2000xf32, #tpu.memory_space<vmem_shared>>
    tpu.wait_dma2 semaphore(%arg16 : memref<!tpu.dma_semaphore, #tpu.memory_space<semaphore_mem>>) src(%arg11 : memref<2000xf32, #tpu.memory_space<vmem>>) dst(%dma_wait3A_547 : memref<2000xf32, #tpu.memory_space<vmem_shared>>)
    %dma_start3A_548 = arith.constant 14000 : i32
    %dma_start3A_549 = tpu.memref_slice %arg10[%dma_start3A_548] : memref<20000xi32, #tpu.memory_space<vmem>> -> memref<2000xi32, #tpu.memory_space<vmem>>
    %dma_start3A_550 = arith.constant 0 : i32
    %dma_start3A_551 = tpu.memref_slice %arg12[%dma_start3A_550] : memref<1081344xf32, #tpu.memory_space<vmem_shared>> -> memref<1081344xf32, #tpu.memory_space<vmem_shared>>
    tpu.enqueue_indirect_dma source(%arg11 : memref<2000xf32, #tpu.memory_space<vmem>>) target(%dma_start3A_551 : memref<1081344xf32, #tpu.memory_space<vmem_shared>>) offsets(%dma_start3A_549 : memref<2000xi32, #tpu.memory_space<vmem>>) semaphore(%arg16 : memref<!tpu.dma_semaphore, #tpu.memory_space<semaphore_mem>>) {add = true}
    %dma_wait3A_552 = arith.constant 0 : i32
    %dma_wait3A_553 = tpu.memref_slice %arg12[%dma_wait3A_552] : memref<1081344xf32, #tpu.memory_space<vmem_shared>> -> memref<2000xf32, #tpu.memory_space<vmem_shared>>
    %dma_wait3A_554 = arith.constant 0 : i32
    %dma_wait3A_555 = tpu.memref_slice %arg12[%dma_wait3A_554] : memref<1081344xf32, #tpu.memory_space<vmem_shared>> -> memref<2000xf32, #tpu.memory_space<vmem_shared>>
    tpu.wait_dma2 semaphore(%arg16 : memref<!tpu.dma_semaphore, #tpu.memory_space<semaphore_mem>>) src(%arg11 : memref<2000xf32, #tpu.memory_space<vmem>>) dst(%dma_wait3A_555 : memref<2000xf32, #tpu.memory_space<vmem_shared>>)
    %dma_start3A_556 = arith.constant 16000 : i32
    %dma_start3A_557 = tpu.memref_slice %arg10[%dma_start3A_556] : memref<20000xi32, #tpu.memory_space<vmem>> -> memref<2000xi32, #tpu.memory_space<vmem>>
    %dma_start3A_558 = arith.constant 0 : i32
    %dma_start3A_559 = tpu.memref_slice %arg12[%dma_start3A_558] : memref<1081344xf32, #tpu.memory_space<vmem_shared>> -> memref<1081344xf32, #tpu.memory_space<vmem_shared>>
    tpu.enqueue_indirect_dma source(%arg11 : memref<2000xf32, #tpu.memory_space<vmem>>) target(%dma_start3A_559 : memref<1081344xf32, #tpu.memory_space<vmem_shared>>) offsets(%dma_start3A_557 : memref<2000xi32, #tpu.memory_space<vmem>>) semaphore(%arg16 : memref<!tpu.dma_semaphore, #tpu.memory_space<semaphore_mem>>) {add = true}
    %dma_wait3A_560 = arith.constant 0 : i32
    %dma_wait3A_561 = tpu.memref_slice %arg12[%dma_wait3A_560] : memref<1081344xf32, #tpu.memory_space<vmem_shared>> -> memref<2000xf32, #tpu.memory_space<vmem_shared>>
    %dma_wait3A_562 = arith.constant 0 : i32
    %dma_wait3A_563 = tpu.memref_slice %arg12[%dma_wait3A_562] : memref<1081344xf32, #tpu.memory_space<vmem_shared>> -> memref<2000xf32, #tpu.memory_space<vmem_shared>>
    tpu.wait_dma2 semaphore(%arg16 : memref<!tpu.dma_semaphore, #tpu.memory_space<semaphore_mem>>) src(%arg11 : memref<2000xf32, #tpu.memory_space<vmem>>) dst(%dma_wait3A_563 : memref<2000xf32, #tpu.memory_space<vmem_shared>>)
    %dma_start3A_564 = arith.constant 18000 : i32
    %dma_start3A_565 = tpu.memref_slice %arg10[%dma_start3A_564] : memref<20000xi32, #tpu.memory_space<vmem>> -> memref<2000xi32, #tpu.memory_space<vmem>>
    %dma_start3A_566 = arith.constant 0 : i32
    %dma_start3A_567 = tpu.memref_slice %arg12[%dma_start3A_566] : memref<1081344xf32, #tpu.memory_space<vmem_shared>> -> memref<1081344xf32, #tpu.memory_space<vmem_shared>>
    tpu.enqueue_indirect_dma source(%arg11 : memref<2000xf32, #tpu.memory_space<vmem>>) target(%dma_start3A_567 : memref<1081344xf32, #tpu.memory_space<vmem_shared>>) offsets(%dma_start3A_565 : memref<2000xi32, #tpu.memory_space<vmem>>) semaphore(%arg16 : memref<!tpu.dma_semaphore, #tpu.memory_space<semaphore_mem>>) {add = true}
    %dma_wait3A_568 = arith.constant 0 : i32
    %dma_wait3A_569 = tpu.memref_slice %arg12[%dma_wait3A_568] : memref<1081344xf32, #tpu.memory_space<vmem_shared>> -> memref<2000xf32, #tpu.memory_space<vmem_shared>>
    %dma_wait3A_570 = arith.constant 0 : i32
    %dma_wait3A_571 = tpu.memref_slice %arg12[%dma_wait3A_570] : memref<1081344xf32, #tpu.memory_space<vmem_shared>> -> memref<2000xf32, #tpu.memory_space<vmem_shared>>
    tpu.wait_dma2 semaphore(%arg16 : memref<!tpu.dma_semaphore, #tpu.memory_space<semaphore_mem>>) src(%arg11 : memref<2000xf32, #tpu.memory_space<vmem>>) dst(%dma_wait3A_571 : memref<2000xf32, #tpu.memory_space<vmem_shared>>)
    %dma_wait3A_572 = arith.constant 0 : i32
    %dma_wait3A_573 = tpu.memref_slice %arg12[%dma_wait3A_572] : memref<1081344xf32, #tpu.memory_space<vmem_shared>> -> memref<2000xf32, #tpu.memory_space<vmem_shared>>
    %dma_wait3A_574 = arith.constant 0 : i32
    %dma_wait3A_575 = tpu.memref_slice %arg12[%dma_wait3A_574] : memref<1081344xf32, #tpu.memory_space<vmem_shared>> -> memref<2000xf32, #tpu.memory_space<vmem_shared>>
    tpu.wait_dma2 semaphore(%arg16 : memref<!tpu.dma_semaphore, #tpu.memory_space<semaphore_mem>>) src(%arg11 : memref<2000xf32, #tpu.memory_space<vmem>>) dst(%dma_wait3A_575 : memref<2000xf32, #tpu.memory_space<vmem_shared>>)
    %dma_wait3A_576 = arith.constant 0 : i32
    %dma_wait3A_577 = tpu.memref_slice %arg12[%dma_wait3A_576] : memref<1081344xf32, #tpu.memory_space<vmem_shared>> -> memref<2000xf32, #tpu.memory_space<vmem_shared>>
    %dma_wait3A_578 = arith.constant 0 : i32
    %dma_wait3A_579 = tpu.memref_slice %arg12[%dma_wait3A_578] : memref<1081344xf32, #tpu.memory_space<vmem_shared>> -> memref<2000xf32, #tpu.memory_space<vmem_shared>>
    tpu.wait_dma2 semaphore(%arg16 : memref<!tpu.dma_semaphore, #tpu.memory_space<semaphore_mem>>) src(%arg11 : memref<2000xf32, #tpu.memory_space<vmem>>) dst(%dma_wait3A_579 : memref<2000xf32, #tpu.memory_space<vmem_shared>>)
    %dma_wait3A_580 = arith.constant 0 : i32
    %dma_wait3A_581 = tpu.memref_slice %arg12[%dma_wait3A_580] : memref<1081344xf32, #tpu.memory_space<vmem_shared>> -> memref<2000xf32, #tpu.memory_space<vmem_shared>>
    %dma_wait3A_582 = arith.constant 0 : i32
    %dma_wait3A_583 = tpu.memref_slice %arg12[%dma_wait3A_582] : memref<1081344xf32, #tpu.memory_space<vmem_shared>> -> memref<2000xf32, #tpu.memory_space<vmem_shared>>
    tpu.wait_dma2 semaphore(%arg16 : memref<!tpu.dma_semaphore, #tpu.memory_space<semaphore_mem>>) src(%arg11 : memref<2000xf32, #tpu.memory_space<vmem>>) dst(%dma_wait3A_583 : memref<2000xf32, #tpu.memory_space<vmem_shared>>)
    %barrier3A_584 = arith.constant 0 : index
    tpu.barrier barrier_id(%barrier3A_584)
    %mul3A_585 = arith.constant 65 : i32
    %mul3A_586 = arith.muli %arg1, %mul3A_585 : i32
    %mul3A_587 = arith.constant 1024 : i32
    %mul3A_588 = arith.muli %mul3A_586, %mul3A_587 : i32
    %mul3A_589 = arith.constant 65 : i32
    %mul3A_590 = arith.muli %arg1, %mul3A_589 : i32
    %mul3A_591 = arith.constant 1024 : i32
    %mul3A_592 = arith.muli %mul3A_590, %mul3A_591 : i32
    %add3A_593 = arith.addi %mul3A_489, %mul3A_592 : i32
    %dma_start3A_594 = tpu.memref_slice %arg7[%add3A_593] : memref<10649600xf32, #tpu.memory_space<hbm>> -> memref<66560xf32, #tpu.memory_space<hbm>>
    %dma_start3A_595 = tpu.memref_slice %arg12[%mul3A_588] : memref<1081344xf32, #tpu.memory_space<vmem_shared>> -> memref<66560xf32, #tpu.memory_space<vmem_shared>>
    tpu.enqueue_dma source(%dma_start3A_595 : memref<66560xf32, #tpu.memory_space<vmem_shared>>) target(%dma_start3A_594 : memref<66560xf32, #tpu.memory_space<hbm>>) target_semaphore(%arg15 : memref<!tpu.dma_semaphore, #tpu.memory_space<semaphore_mem>>)
    %dma_wait3A_596 = tpu.memref_slice %arg7[%add3A_593] : memref<10649600xf32, #tpu.memory_space<hbm>> -> memref<66560xf32, #tpu.memory_space<hbm>>
    %dma_wait3A_597 = tpu.memref_slice %arg12[%mul3A_588] : memref<1081344xf32, #tpu.memory_space<vmem_shared>> -> memref<66560xf32, #tpu.memory_space<vmem_shared>>
    tpu.wait_dma2 semaphore(%arg15 : memref<!tpu.dma_semaphore, #tpu.memory_space<semaphore_mem>>) src(%dma_wait3A_597 : memref<66560xf32, #tpu.memory_space<vmem_shared>>) dst(%dma_wait3A_596 : memref<66560xf32, #tpu.memory_space<hbm>>)
    %barrier3A_598 = arith.constant 0 : index
    tpu.barrier barrier_id(%barrier3A_598)
    return
  }
}

module attributes {stable_mosaic.version = 14 : i64} {
  func.func @body(%arg0: memref<1024x512xf32, #tpu.memory_space<vmem>>, %arg1: memref<512x128xf32, #tpu.memory_space<vmem>>, %arg2: memref<1024x128xf32, #tpu.memory_space<vmem>>) attributes {dimension_semantics = [], scalar_prefetch = 0 : i64, scratch_operands = 0 : i64, tpu.core_type = #tpu.core_type<tc>} {
    %get3A = arith.constant 0 : index
    %get3A_0 = arith.constant 0 : index
    %get3A_1 = vector.load %arg0[%get3A, %get3A_0] : memref<1024x512xf32, #tpu.memory_space<vmem>>, vector<1024x512xf32>
    %get3A_2 = arith.constant 0 : index
    %get3A_3 = arith.constant 0 : index
    %get3A_4 = vector.load %arg1[%get3A_2, %get3A_3] : memref<512x128xf32, #tpu.memory_space<vmem>>, vector<512x128xf32>
    %dot_general3A = arith.constant dense<0.000000e+00> : vector<1024x128xf32>
    %dot_general3A_5 = tpu.matmul %get3A_1, %get3A_4, %dot_general3A {dimension_numbers = #tpu.dot_dimension_numbers<[1], [0], [0], [1], [0, 0, 1, 1], [], []>, transpose_lhs_hint = false} : vector<1024x512xf32>, vector<512x128xf32>, vector<1024x128xf32> -> vector<1024x128xf32>
    %swap3A = arith.constant 0 : index
    %swap3A_6 = arith.constant 0 : index
    %swap3A_7 = vector.load %arg2[%swap3A, %swap3A_6] : memref<1024x128xf32, #tpu.memory_space<vmem>>, vector<1024x128xf32>
    tpu.vector_store %arg2[%swap3A, %swap3A_6], %dot_general3A_5 {strides = array<i32>} : memref<1024x128xf32, #tpu.memory_space<vmem>>, vector<1024x128xf32>,
    return
  }
}

module attributes {stable_mosaic.version = 14 : i64} {
  func.func @body(%arg0: i32, %arg1: memref<520x1024xf32, #tpu.memory_space<vmem>>, %arg2: memref<1024x128xf32, #tpu.memory_space<vmem>>, %arg3: memref<520x128xf32, #tpu.memory_space<vmem>>, %arg4: memref<8x128xf32, #tpu.memory_space<vmem>>) attributes {dimension_semantics = [#tpu.dimension_semantics<arbitrary>], iteration_bounds = array<i64: 20>, scalar_prefetch = 0 : i64, scratch_operands = 0 : i64, tpu.core_type = #tpu.core_type<tc>, window_params = [{transform_indices = @transform_0, window_bounds = array<i64: 520, 1024>}, {pipeline_mode = #tpu.pipeline_mode<synchronous>, transform_indices = @transform_1, window_bounds = array<i64: 1024, 128>}, {transform_indices = @transform_2, window_bounds = array<i64: 520, 128>}, {pipeline_mode = #tpu.pipeline_mode<synchronous>, transform_indices = @transform_3, window_bounds = array<i64: 8, 128>}]} {
    %get3A = arith.constant 0 : index
    %get3A_0 = arith.constant 0 : index
    %get3A_1 = vector.load %arg1[%get3A, %get3A_0] : memref<520x1024xf32, #tpu.memory_space<vmem>>, vector<520x1024xf32>
    %get3A_2 = arith.constant 0 : index
    %get3A_3 = arith.constant 0 : index
    %get3A_4 = vector.load %arg2[%get3A_2, %get3A_3] : memref<1024x128xf32, #tpu.memory_space<vmem>>, vector<1024x128xf32>
    %dot_general3A = arith.constant dense<0.000000e+00> : vector<520x128xf32>
    %dot_general3A_5 = tpu.matmul %get3A_1, %get3A_4, %dot_general3A {dimension_numbers = #tpu.dot_dimension_numbers<[1], [0], [0], [1], [0, 0, 1, 1], [], []>, transpose_lhs_hint = false} : vector<520x1024xf32>, vector<1024x128xf32>, vector<520x128xf32> -> vector<520x128xf32>
    %swap3A = arith.constant 0 : index
    %swap3A_6 = arith.constant 0 : index
    %swap3A_7 = vector.load %arg3[%swap3A, %swap3A_6] : memref<520x128xf32, #tpu.memory_space<vmem>>, vector<520x128xf32>
    tpu.vector_store %arg3[%swap3A, %swap3A_6], %dot_general3A_5 {strides = array<i32>} : memref<520x128xf32, #tpu.memory_space<vmem>>, vector<520x128xf32>,
    %reduce_sum3A = arith.constant dense<0.000000e+00> : vector<128xf32>
    %reduce_sum3A_8 = vector.multi_reduction <add>, %dot_general3A_5, %reduce_sum3A [0] : vector<520x128xf32> to vector<128xf32>
    %broadcast_in_dim3A = vector.shape_cast %reduce_sum3A_8 : vector<128xf32> to vector<1x128xf32>
    %mul3A = arith.mulf %dot_general3A_5, %dot_general3A_5 : vector<520x128xf32>
    %reduce_sum3A_9 = arith.constant dense<0.000000e+00> : vector<128xf32>
    %reduce_sum3A_10 = vector.multi_reduction <add>, %mul3A, %reduce_sum3A_9 [0] : vector<520x128xf32> to vector<128xf32>
    %broadcast_in_dim3A_11 = vector.shape_cast %reduce_sum3A_10 : vector<128xf32> to vector<1x128xf32>
    %broadcast_in_dim3A_12 = arith.constant 0.000000e+00 : f32
    %broadcast_in_dim3A_13 = vector.broadcast %broadcast_in_dim3A_12 : f32 to vector<6x128xf32>
    %concatenate3A = tpu.concatenate %broadcast_in_dim3A, %broadcast_in_dim3A_11, %broadcast_in_dim3A_13 in 0 : vector<1x128xf32>, vector<1x128xf32>, vector<6x128xf32> -> vector<8x128xf32>
    %eq3A = arith.constant 0 : i32
    %eq3A_14 = arith.cmpi eq, %arg0, %eq3A : i32
    %convert_element_type3A = arith.extui %eq3A_14 : i1 to i32
    %cond3A = arith.constant 0 : i32
    %cond3A_15 = arith.cmpi ne, %convert_element_type3A, %cond3A : i32
    scf.if %cond3A_15 {
      %broadcast_in_dim3A_22 = arith.constant 0.000000e+00 : f32
      %broadcast_in_dim3A_23 = vector.broadcast %broadcast_in_dim3A_22 : f32 to vector<8x128xf32>
      %swap3A_24 = arith.constant 0 : index
      %swap3A_25 = arith.constant 0 : index
      %swap3A_26 = vector.load %arg4[%swap3A_24, %swap3A_25] : memref<8x128xf32, #tpu.memory_space<vmem>>, vector<8x128xf32>
      tpu.vector_store %arg4[%swap3A_24, %swap3A_25], %broadcast_in_dim3A_23 {strides = array<i32>} : memref<8x128xf32, #tpu.memory_space<vmem>>, vector<8x128xf32>,
    } else {
    }
    %get3A_16 = arith.constant 0 : index
    %get3A_17 = arith.constant 0 : index
    %get3A_18 = vector.load %arg4[%get3A_16, %get3A_17] : memref<8x128xf32, #tpu.memory_space<vmem>>, vector<8x128xf32>
    %add3A = arith.addf %get3A_18, %concatenate3A : vector<8x128xf32>
    %swap3A_19 = arith.constant 0 : index
    %swap3A_20 = arith.constant 0 : index
    %swap3A_21 = vector.load %arg4[%swap3A_19, %swap3A_20] : memref<8x128xf32, #tpu.memory_space<vmem>>, vector<8x128xf32>
    tpu.vector_store %arg4[%swap3A_19, %swap3A_20], %add3A {strides = array<i32>} : memref<8x128xf32, #tpu.memory_space<vmem>>, vector<8x128xf32>,
    return
  }
  func.func @transform_0(%arg0: i32) -> (i32, i32) {
    %c0_i32 = arith.constant 0 : i32
    %c0_i32_0 = arith.constant 0 : i32
    return %arg0, %c0_i32 : i32, i32
  }
  func.func @transform_1(%arg0: i32) -> (i32, i32) {
    %c0_i32 = arith.constant 0 : i32
    %c0_i32_0 = arith.constant 0 : i32
    %c0_i32_1 = arith.constant 0 : i32
    return %c0_i32, %c0_i32_0 : i32, i32
  }
  func.func @transform_2(%arg0: i32) -> (i32, i32) {
    %c0_i32 = arith.constant 0 : i32
    %c0_i32_0 = arith.constant 0 : i32
    return %arg0, %c0_i32 : i32, i32
  }
  func.func @transform_3(%arg0: i32) -> (i32, i32) {
    %c0_i32 = arith.constant 0 : i32
    %c0_i32_0 = arith.constant 0 : i32
    %c0_i32_1 = arith.constant 0 : i32
    return %c0_i32, %c0_i32_0 : i32, i32
  }
}

module attributes {stable_mosaic.version = 14 : i64} {
  func.func @body(%arg0: i32, %arg1: memref<520x128xf32, #tpu.memory_space<vmem>>, %arg2: memref<8x128xf32, #tpu.memory_space<vmem>>, %arg3: memref<1x128xf32, #tpu.memory_space<vmem>>, %arg4: memref<1x128xf32, #tpu.memory_space<vmem>>, %arg5: memref<520x128xf32, #tpu.memory_space<vmem>>) attributes {dimension_semantics = [#tpu.dimension_semantics<arbitrary>], iteration_bounds = array<i64: 20>, scalar_prefetch = 0 : i64, scratch_operands = 0 : i64, tpu.core_type = #tpu.core_type<tc>, window_params = [{transform_indices = @transform_0, window_bounds = array<i64: 520, 128>}, {pipeline_mode = #tpu.pipeline_mode<synchronous>, transform_indices = @transform_1, window_bounds = array<i64: 8, 128>}, {pipeline_mode = #tpu.pipeline_mode<synchronous>, transform_indices = @transform_2, window_bounds = array<i64: 1, 128>}, {pipeline_mode = #tpu.pipeline_mode<synchronous>, transform_indices = @transform_3, window_bounds = array<i64: 1, 128>}, {transform_indices = @transform_4, window_bounds = array<i64: 520, 128>}]} {
    %get3A = arith.constant 0 : index
    %get3A_0 = arith.constant 0 : index
    %get3A_1 = vector.load %arg2[%get3A, %get3A_0] : memref<8x128xf32, #tpu.memory_space<vmem>>, vector<1x128xf32>
    %mul3A = arith.constant 9.99999974E-5 : f32
    %mul3A_2 = vector.broadcast %mul3A : f32 to vector<1x128xf32>
    %mul3A_3 = arith.mulf %get3A_1, %mul3A_2 : vector<1x128xf32>
    %get3A_4 = arith.constant 1 : index
    %get3A_5 = arith.constant 0 : index
    %get3A_6 = vector.load %arg2[%get3A_4, %get3A_5] : memref<8x128xf32, #tpu.memory_space<vmem>>, vector<1x128xf32>
    %mul3A_7 = arith.constant 9.99999974E-5 : f32
    %mul3A_8 = vector.broadcast %mul3A_7 : f32 to vector<1x128xf32>
    %mul3A_9 = arith.mulf %get3A_6, %mul3A_8 : vector<1x128xf32>
    %mul3A_10 = arith.mulf %mul3A_3, %mul3A_3 : vector<1x128xf32>
    %sub3A = arith.subf %mul3A_9, %mul3A_10 : vector<1x128xf32>
    %add3A = arith.constant 9.99999974E-6 : f32
    %add3A_11 = vector.broadcast %add3A : f32 to vector<1x128xf32>
    %add3A_12 = arith.addf %sub3A, %add3A_11 : vector<1x128xf32>
    %rsqrt3A = math.rsqrt %add3A_12 : vector<1x128xf32>
    %get3A_13 = arith.constant 0 : index
    %get3A_14 = arith.constant 0 : index
    %get3A_15 = vector.load %arg1[%get3A_13, %get3A_14] : memref<520x128xf32, #tpu.memory_space<vmem>>, vector<520x128xf32>
    %sub3A_16 = vector.broadcast %mul3A_3 : vector<1x128xf32> to vector<520x128xf32>
    %sub3A_17 = arith.subf %get3A_15, %sub3A_16 : vector<520x128xf32>
    %mul3A_18 = vector.broadcast %rsqrt3A : vector<1x128xf32> to vector<520x128xf32>
    %mul3A_19 = arith.mulf %sub3A_17, %mul3A_18 : vector<520x128xf32>
    %get3A_20 = arith.constant 0 : index
    %get3A_21 = arith.constant 0 : index
    %get3A_22 = vector.load %arg3[%get3A_20, %get3A_21] : memref<1x128xf32, #tpu.memory_space<vmem>>, vector<1x128xf32>
    %mul3A_23 = vector.broadcast %get3A_22 : vector<1x128xf32> to vector<520x128xf32>
    %mul3A_24 = arith.mulf %mul3A_19, %mul3A_23 : vector<520x128xf32>
    %get3A_25 = arith.constant 0 : index
    %get3A_26 = arith.constant 0 : index
    %get3A_27 = vector.load %arg4[%get3A_25, %get3A_26] : memref<1x128xf32, #tpu.memory_space<vmem>>, vector<1x128xf32>
    %add3A_28 = vector.broadcast %get3A_27 : vector<1x128xf32> to vector<520x128xf32>
    %add3A_29 = arith.addf %mul3A_24, %add3A_28 : vector<520x128xf32>
    %swap3A = arith.constant 0 : index
    %swap3A_30 = arith.constant 0 : index
    %swap3A_31 = vector.load %arg5[%swap3A, %swap3A_30] : memref<520x128xf32, #tpu.memory_space<vmem>>, vector<520x128xf32>
    tpu.vector_store %arg5[%swap3A, %swap3A_30], %add3A_29 {strides = array<i32>} : memref<520x128xf32, #tpu.memory_space<vmem>>, vector<520x128xf32>,
    return
  }
  func.func @transform_0(%arg0: i32) -> (i32, i32) {
    %c0_i32 = arith.constant 0 : i32
    %c0_i32_0 = arith.constant 0 : i32
    return %arg0, %c0_i32 : i32, i32
  }
  func.func @transform_1(%arg0: i32) -> (i32, i32) {
    %c0_i32 = arith.constant 0 : i32
    %c0_i32_0 = arith.constant 0 : i32
    %c0_i32_1 = arith.constant 0 : i32
    return %c0_i32, %c0_i32_0 : i32, i32
  }
  func.func @transform_2(%arg0: i32) -> (i32, i32) {
    %c0_i32 = arith.constant 0 : i32
    %c0_i32_0 = arith.constant 0 : i32
    %c0_i32_1 = arith.constant 0 : i32
    return %c0_i32, %c0_i32_0 : i32, i32
  }
  func.func @transform_3(%arg0: i32) -> (i32, i32) {
    %c0_i32 = arith.constant 0 : i32
    %c0_i32_0 = arith.constant 0 : i32
    %c0_i32_1 = arith.constant 0 : i32
    return %c0_i32, %c0_i32_0 : i32, i32
  }
  func.func @transform_4(%arg0: i32) -> (i32, i32) {
    %c0_i32 = arith.constant 0 : i32
    %c0_i32_0 = arith.constant 0 : i32
    return %arg0, %c0_i32 : i32, i32
  }
}

</mosaic_0001>

<sc_bundles>
// kernel: kernel.6.cloned.1.call-start
scs
__scs_entry_jumppad:
0x0: {  	(pc) =	sbr.rel $0x88, $3  }
0x1: {  	(tag) =	ssettag $0x0;
	lr =	simm.s32 $0x1  }
0x2: {  	[smem:$0x3F9A] =	sst lr;
	_ =	strace $0xD0000000  }
0x3: {  	_ = 	snop  }
0x4: {  	_ = 	snop  }
0x5: {  	_ = 	snop  }
0x6: {  	_ = 	snop  }
0x7: {  	_ = 	snop  }
__scs_overlays_trampoline_lowered:
0x8: {  	[smem:$0x3FA9] =	sst s0  }
0x9: {  	[smem:$0x3FAA] =	sst s1  }
0xa: {  	[smem:$0x3FAB] =	sst s2  }
0xb: {  	[smem:$0x3FAC] =	sst s3  }
0xc: {  	[smem:$0x3FAD] =	sst s4  }
0xd: {  	[smem:$0x3FAE] =	sst s5  }
0xe: {  	[smem:$0x3FAF] =	sst s6  }
0xf: {  	[smem:$0x3FB0] =	sst s7  }
0x10: {  	[smem:$0x3FB1] =	sst s8  }
0x11: {  	[smem:$0x3FB2] =	sst s9;
	s0 =	simm.s32 @!p0 $0x0  }
0x12: {  	s1 =	sld [smem:$0x3F98];
	s0 =	simm.s32 @p0 $0x1  }
0x13: {  	[smem:$0x3FB3] =	sst s0;
	s0 =	simm.s32 @!p1 $0x0  }
0x14: {  	s2 =	sld [smem:$0x3F97];
	s0 =	simm.s32 @p1 $0x1  }
0x15: {  	[smem:$0x3FB4] =	sst s0;
	s0 =	simm.s32 @!p2 $0x0  }
0x16: {  	s3 =	sld [smem:$0x3FDB];
	s0 =	simm.s32 @p2 $0x1  }
0x17: {  	s4 =	simm.s32 $0x1BF5;
	[smem:$0x3FB6] =	sst s0  }
0x18: {  	s0 =	sld [smem:$0x3F99];
	_ =	swait.ge [sflag:s4], $0x0  }
0x19: {  	s7 =	sld [smem:$0x3F9A]  }
0x1a: {  	s8 =	sadd.s32 $0xFFFFE003, lr  }
0x1b: {  	s9 =	sadd.s32 $0xFFFFFEF7, lr;
	s5 =	simm.s32 $0xFFFFFFFF;
	p2 =	slt.u32 s8, $0xFFFFF086  }
0x1c: {  	p1 =	slt.u32 s9, $0xF7A;
	s5 =	simm.s32 @!p2 $0x0  }
0x1d: {  	s5 =	simm.s32 @p1 $0x1;
	p0 =	seq.s32 s7, s2  }
0x1e: {  	s7 =	smul.u32 @!p0 $0xF7A, s2;
	p2 =	seq.s32 @!p0 s5, $0x0  }
0x1f: {  	s9 =	smul.u32 $0xF7A, s1;
	s8 =	simm.s32 @!p0 $0x1BF5;
	p2 =	por !p2, p0  }
0x20: {  	[sflag:s8] =	ssyncset.s32 @!p0 $0xFFFFF086;
	s6 =	sadd.s32 @!p0 s3, s7;
	s7 =	simm.s32 @!p0 $0x108  }
0x21: {  	s3 =	sadd.s32 s3, s9;
	s6 =	sadd.s32 @!p0 $0x88, s6;
	s7 =	simm.s32 @p2 $0x1082  }
0x22: {  	[simem:s7], [sflag:s8] =	dma.local @!p0 [hbm:s6], $0xF7A  }
0x23: {  	s9 =	sor.u32 $0xD0000000, s2;
	s6 =	simm.s32 $0x108;
	_ =	swait.ge @!p0 [sflag:s8], $0x0  }
0x24: {  	s3 =	sadd.s32 $0x88, s3;
	s6 =	simm.s32 @!p1 $0x1082;
	[sflag:s4] =	ssyncset.s32 $0xFFFFF086  }
0x25: {  	[simem:s6], [sflag:s4] =	dma.local [hbm:s3], $0xF7A  }
0x26: {  	[smem:$0x3F9A] =	sst s1;
	(tag) =	ssettag s2;
	_ =	strace s9  }
0x27: {  	s1 =	sld [smem:$0x3FAA]  }
0x28: {  	s2 =	sld [smem:$0x3FAB]  }
0x29: {  	s4 =	sld [smem:$0x3FAD]  }
0x2a: {  	p0 =	seq.s32 s5, $0x0;
	s5 =	sld [smem:$0x3FAE]  }
0x2b: {  	s6 =	sld [smem:$0x3FAF]  }
0x2c: {  	s7 =	sld [smem:$0x3FB0]  }
0x2d: {  	s3 =	simm.s32 $0x108;
	s8 =	sld [smem:$0x3FB1]  }
0x2e: {  	s3 =	simm.s32 @!p0 $0x1082;
	s9 =	sld [smem:$0x3FB2]  }
0x2f: {  	lr =	sadd.s32 s0, s3;
	s0 =	sld [smem:$0x3FA9]  }
0x30: {  	s3 =	sld [smem:$0x3FAC]  }
0x31: {  	[smem:$0x3FB5] =	sst s10  }
0x32: {  	s10 =	sld [smem:$0x3FB3];
	_ =	sdelay $0x3  }
0x33: {  	p0 =	seq.s32 s10, $0x1;
	s10 =	sld [smem:$0x3FB5];
	_ =	sdelay $0x3  }
0x34: {  	[smem:$0x3FB5] =	sst s10  }
0x35: {  	s10 =	sld [smem:$0x3FB4];
	_ =	sdelay $0x3  }
0x36: {  	p1 =	seq.s32 s10, $0x1;
	s10 =	sld [smem:$0x3FB5];
	_ =	sdelay $0x3  }
0x37: {  	[smem:$0x3FB5] =	sst s10  }
0x38: {  	s10 =	sld [smem:$0x3FB6]  }
0x39: {  	_ = 	snop;
	(pc) =	sbr.ind lr, $3  }
0x3a: {  	_ = 	snop  }
0x3b: {  	_ = 	snop  }
0x3c: {  	p2 =	seq.s32 s10, $0x1;
	s10 =	sld [smem:$0x3FB5]  }
0x3d: {  	_ =	shalt  }
0x3e: {  	_ =	shalt  }
0x3f: {  	_ =	shalt  }
0x40: {  	_ =	shalt  }
0x41: {  	_ =	shalt  }
0x42: {  	_ =	shalt  }
0x43: {  	_ =	shalt  }
0x44: {  	_ =	shalt  }
0x45: {  	_ =	shalt  }
0x46: {  	_ =	shalt  }
0x47: {  	_ =	shalt  }
0x48: {  	_ =	shalt  }
0x49: {  	_ =	shalt  }
0x4a: {  	_ =	shalt  }
0x4b: {  	_ =	shalt  }
0x4c: {  	_ =	shalt  }
0x4d: {  	_ =	shalt  }
0x4e: {  	_ =	shalt  }
0x4f: {  	_ =	shalt  }
0x50: {  	_ =	shalt  }
0x51: {  	_ =	shalt  }
0x52: {  	_ =	shalt  }
0x53: {  	_ =	shalt  }
0x54: {  	_ =	shalt  }
0x55: {  	_ =	shalt  }
0x56: {  	_ =	shalt  }
0x57: {  	_ =	shalt  }
0x58: {  	_ =	shalt  }
0x59: {  	_ =	shalt  }
0x5a: {  	_ =	shalt  }
0x5b: {  	_ =	shalt  }
0x5c: {  	_ =	shalt  }
0x5d: {  	_ =	shalt  }
0x5e: {  	_ =	shalt  }
0x5f: {  	_ =	shalt  }
0x60: {  	_ =	shalt  }
0x61: {  	_ =	shalt  }
0x62: {  	_ =	shalt  }
0x63: {  	_ =	shalt  }
0x64: {  	_ =	shalt  }
0x65: {  	_ =	shalt  }
0x66: {  	_ =	shalt  }
0x67: {  	_ =	shalt  }
0x68: {  	_ =	shalt  }
0x69: {  	_ =	shalt  }
0x6a: {  	_ =	shalt  }
0x6b: {  	_ =	shalt  }
0x6c: {  	_ =	shalt  }
0x6d: {  	_ =	shalt  }
0x6e: {  	_ =	shalt  }
0x6f: {  	_ =	shalt  }
0x70: {  	_ =	shalt  }
0x71: {  	_ =	shalt  }
0x72: {  	_ =	shalt  }
0x73: {  	_ =	shalt  }
0x74: {  	_ =	shalt  }
0x75: {  	_ =	shalt  }
0x76: {  	_ =	shalt  }
0x77: {  	_ =	shalt  }
0x78: {  	_ =	shalt  }
0x79: {  	_ =	shalt  }
0x7a: {  	_ =	shalt  }
0x7b: {  	_ =	shalt  }
0x7c: {  	_ =	shalt  }
0x7d: {  	_ =	shalt  }
0x7e: {  	_ =	shalt  }
0x7f: {  	_ =	shalt  }
0x80: {  	_ =	shalt  }
0x81: {  	_ =	shalt  }
0x82: {  	_ =	shalt  }
0x83: {  	_ =	shalt  }
0x84: {  	_ =	shalt  }
0x85: {  	_ =	shalt  }
0x86: {  	_ =	shalt  }
0x87: {  	_ =	shalt  }
.Lfunc_end0:
.L_simem_size_0:
called_computation_lowered:
.L_overlay_start_0:
0x88: {  	s2 =	sld [smem:$0x3FD9]  }
0x89: {  	s3 =	sld [smem:$0x3FFE];
	_ =	sdelay $0x1  }
0x8a: {  	s1 =	srdreg.scid  }
0x8b: {  	s0 =	sand.u32 $0x1, s1  }
0x8c: {  	s17 =	sshll.u32 s0, $0xA;
	s2 =	sadd.s32 s3, s2  }
0x8d: {  	s2 =	sadd.s32 s2, s17  }
0x8e: {  	[smem:$0x3FC1] =	sst s2  }
0x8f: {  	_ = 	snop  }
0x90: {  	s2 =	sld [smem:$0x3FC9]  }
0x91: {  	s18 =	sld [smem:$0x3FD0];
	(tm) =	ssettm $0x1  }
0x92: {  	s4 =	sld [smem:$0x3FFB];
	_ =	sdelay $0x3  }
0x93: {  	_ =	strace s4  }
0x94: {  	s4 =	sld [smem:$0x3FFC];
	_ =	sdelay $0x3  }
0x95: {  	_ =	strace s4  }
0x96: {  	s4 =	sld [smem:$0x3FFD];
	_ =	sdelay $0x3  }
0x97: {  	_ =	strace s4  }
0x98: {  	_ =	strace $0x8FFFFFFF  }
0x99: {  	s19 =	sld [smem:$0x3FDB];
	_ =	sdelay $0x1  }
0x9a: {  	s5 =	simm.s32 $_scs_section_size  }
0x9b: {  	s6 =	simm.s32 $_size__tile_overlayer_lowered;
	s7 =	simm.s32 $_tile_overlayer_lowered  }
0x9c: {  	s22 =	simm.s32 $0x1BFF;
	s21 =	sshll.u32 s7, $0x1;
	s4 =	sadd.s32 s5, s19  }
0x9d: {  	s8 =	simm.s32 $0x0;
	s20 =	sshll.u32 s6, $0x1;
	s6 =	sadd.s32 s21, s4  }
0x9e: {  	[timem:s8], [sflag:s22] =	dma.local [hbm:s6], s20  }
0x9f: {  	_ =	swait.ge [sflag:s22], s20  }
0xa0: {  	s5 =	ssub.s32 $0x0, s20;
	[sflag:s22] =	ssyncset.done $0x0  }
0xa1: {  	[sflag:s22] =	ssyncadd.s32 s5;
	_ =	sdelay $0x1  }
0xa2: {  	s23 =	simm.s32 $0x1B8B  }
0xa3: {  	_ =	swait.ge [sflag:s23], $0x1  }
0xa4: {  	[sflag:s23] =	ssyncset.done $0x0  }
0xa5: {  	s25 =	simm.s32 $0x1B8E;
	s24 =	sld [smem:$0x3FFE];
	[sflag:s23] =	ssyncadd.s32 $0xFFFFFFFF  }
0xa6: {  	s26 =	simm.s32 $execute0_lowered;
	[smem:$0x3FD2] =	sst s25  }
0xa7: {  	s6 =	sshll.u32 s26, $0x1;
	_ =	strace $0x80000046;
	[dreg:$0x1] =	wrdreg $0xFFFFFFFF  }
0xa8: {  	s28 =	simm.s32 $_size_execute0_lowered;
	s4 =	sadd.s32 s4, s6;
	[dreg:$0x0] =	wrdreg $0x0  }
0xa9: {  	s6 =	sshll.u32 s28, $0x1;
	[dreg:$0x2] =	wrdreg s4  }
0xaa: {  	[dreg:$0x3] =	wrdreg s6  }
0xab: {  	[dreg:$0x4] =	wrdreg $0xC0  }
0xac: {  	_ =	task [dreg:s8], $0x5FFFF  }
0xad: {  	[dreg:$0x1] =	wrdreg $0xFFFFFFFF  }
0xae: {  	[dreg:$0x0] =	wrdreg $0x60  }
0xaf: {  	[dreg:$0x2] =	wrdreg s18  }
0xb0: {  	[dreg:$0x3] =	wrdreg s24  }
0xb1: {  	[dreg:$0x4] =	wrdreg s2  }
0xb2: {  	[dreg:$0x5] =	wrdreg $0xF3800  }
0xb3: {  	[dreg:$0x6] =	wrdreg $0x9  }
0xb4: {  	_ =	task.clear_ibuf [dreg:s8], $0x7FFFF;
	_ =	strace $0x90000046  }
0xb5: {  	s29 =	simm.s32 $0x9;
	_ =	strace $0x80000048  }
0xb6: {  	_ =	swait.ge [sflag:s29], $0x1  }
0xb7: {  	[sflag:s29] =	ssyncadd.s32 $0xFFFFFFFF  }
0xb8: {  	_ =	strace $0x90000048  }
0xb9: {  	_ =	sfence  }
0xba: {  	s30 =	sld [smem:$0x0];
	_ =	sdelay $0x2  }
0xbb: {  	s31 =	sshll.u32 s1, $0xD;
	s1 =	sshrl.u32 s1, $0x2  }
0xbc: {  	s3 =	sand.u32 $0x4000, s31;
	s1 =	sadd.s32 s1, s30  }
0xbd: {  	s0 =	sor.u32 s3, s0;
	s1 =	sshll.u32 s1, $0x11  }
0xbe: {  	s0 =	sor.u32 s1, s0  }
0xbf: {  	s0 =	sadd.s32 $0x8F2B, s0  }
0xc0: {  	[sflag:s0] =	ssyncadd.remote.s32 $0x1  }
0xc1: {  	_ =	sfence.sel $0xFFFF  }
0xc2: {  	[dreg:$0x0] =	wrdreg $0xFFFFFFFF;
	(pc) =	sbr.abs _section_cstart, $3  }
0xc3: {  	[dreg:$0x1] =	wrdreg $0xFFFFFFFF  }
0xc4: {  	_ =	task.clear_ibuf [dreg:s8], $0x2FFFF;
	_ =	strace $0x9FFFFFFF  }
0xc5: {  	(tm) =	ssettm $0x7FFFFFFF  }
tec
execute0_lowered:
.L_overlay_start_1:
0x0: {  	(tag) =	ssettag $0x1  }
0x1: {  	s0 =	rddreg [dreg:$0x0]  }
0x2: {  	s1 =	rddreg [dreg:$0x1]  }
0x3: {  	s3 =	rddreg [dreg:$0x3];
	s4 =	simm.s32 $0x0  }
0x4: {  	s2 =	srdreg.scid;
	s11 =	stileid.u32;
	s18 =	simm.s32 $0xEB80  }
0x5: {  	s19 =	simm.s32 $0x1;
	s21 =	simm.s32 $0x9D00;
	s28 =	simm.s32 $0xB470  }
0x6: {  	s29 =	simm.s32 $0x4;
	s30 =	simm.s32 $0xBC40;
	s31 =	simm.s32 $0xC410  }
0x7: {  	[smem:$0x7FF] =	sst s4;
	s2 =	sand.u32 $0x1, s2;
	s5 =	smul.u32 $0x9C4, s11  }
0x8: {  	s6 =	sadd.s32 $0x9E00, s1;
	s8 =	smul.u32 $0x42000, s11;
	s9 =	sadd.s32 $0xC200, s1  }
0x9: {  	s13 =	smul.u32 $0x10400, s11;
	_ =	strace $0x80000047;
	[dreg:$0x5] =	wrdreg s6  }
0xa: {  	s7 =	smul.u32 $0x514000, s2;
	s6 =	sadd.s32 $0xA000, s1;
	s2 =	ssub.s32 $0x2, s2  }
0xb: {  	s10 =	sshrl.u32 s2, $0x1;
	s0 =	sadd.s32 s0, s5;
	s22 =	sadd.s32 s1, s5  }
0xc: {  	s23 =	sshrl.u32 s8, $0x2;
	s8 =	sadd.s32 s13, s3;
	[dreg:$0x6] =	wrdreg s0  }
0xd: {  	s2 =	ssub.s32 s2, s10;
	[dreg:$0x7] =	wrdreg s22;
	s24 =	sadd.s32 s13, s7  }
0xe: {  	s5 =	sadd.s32 $0x104000, s7;
	s0 =	sadd.s32 s23, s3;
	[dreg:$0xa] =	wrdreg s8  }
0xf: {  	s11 =	sadd.s32 $0x208000, s7;
	s20 =	sadd.s32 $0x30C000, s7;
	s17 =	sadd.s32 $0x410000, s7  }
0x10: {  	s22 =	simm.s32 $0x2;
	s23 =	simm.s32 $0x3;
	[dreg:$0x8] =	wrdreg s0  }
0x11: {  	s25 =	sshrl.u32 s24, $0x3;
	s26 =	sadd.s32 s13, s5;
	s24 =	sadd.s32 s13, s11  }
0x12: {  	s15 =	sadd.s32 s13, s17;
	s16 =	smax.u32 s2, $0x1;
	v4 =	vmov s17;
	s17 =	simm.s32 $0xDB80  }
0x13: {  	s2 =	simm.s32 $0x0;
	s0 =	sadd.s32 s9, s25;
	s10 =	sshrl.u32 s26, $0x3  }
0x14: {  	v3 =	vmov s20;
	s25 =	sadd.s32 s13, s20;
	s26 =	sshrl.u32 s15, $0x3;
	s20 =	simm.s32 $0xE350  }
0x15: {  	[dreg:$0x9] =	wrdreg s0;
	s12 =	sadd.s32 s9, s10;
	s0 =	sshrl.u32 s24, $0x3  }
0x16: {  	s1 =	sshrl.u32 s25, $0x3;
	s15 =	sadd.s32 s9, s26;
	s24 =	simm.s32 $0x7D0  }
0x17: {  	s25 =	simm.s32 $0xA4D0;
	s26 =	simm.s32 $0xACA0;
	s13 =	sadd.s32 s9, s0  }
0x18: {  	v0 =	vmov s7;
	v1 =	vmov s5;
	v2 =	vmov s11;
	s14 =	sadd.s32 s9, s1;
	s0 =	simm.s32 $0xCBE0;
	s1 =	simm.s32 $0xD3B0  }
.LBB2_1:
0x19: {  	s5 =	rddreg [dreg:$0x6]  }
0x1a: {  	[tilespmem:s4], [sflag:$0x1] =	stream.linear.gather [hbm4b:s5+s4], $0x4E20, $0x38;
	[tilespmem:$0x1FB80] =	vst v63  }
0x1b: {  	s8 =	rddreg [dreg:$0x7];
	s7 =	simm.s32 $0x4E80  }
0x1c: {  	[tilespmem:s7], [sflag:$0x1] =	stream.linear.gather [hbm4b:s8+s4], $0x4E20, $0x38;
	[tilespmem:$0x1FB80] =	vst v63  }
0x1d: {  	s9 =	rddreg [dreg:$0x5]  }
0x1e: {  	[tilespmem:s18], [sflag:$0x1] =	stream.linear.gather [hbm4b:s9+s4], $0x800, $0x38;
	[tilespmem:$0x1FB80] =	vst v63  }
0x1f: {  	_ =	swait.ge [sflag:s19], $0x4E20  }
0x20: {  	[sflag:s19] =	ssyncset.done $0x0  }
0x21: {  	[sflag:s19] =	ssyncadd.s32 $0xFFFFB1E0  }
0x22: {  	_ =	swait.ge [sflag:s19], $0x4E20  }
0x23: {  	[sflag:s19] =	ssyncset.done $0x0  }
0x24: {  	[sflag:s19] =	ssyncadd.s32 $0xFFFFB1E0  }
0x25: {  	_ =	swait.ge [sflag:s19], $0x800  }
0x26: {  	[sflag:s19] =	ssyncset.done $0x0  }
0x27: {  	[sflag:s19] =	ssyncadd.s32 $0xFFFFF800  }
0x28: {  	s11 =	simm.s32 $0x4E20;
	s10 =	rddreg [dreg:$0x2]  }
0x29: {  	[tilespmem:s21], [sflag:$0x2] =	stream.indirect.gather [hbm4b:s10+s11], $0x1, s4, s11, $0xb8;
	[tilespmem:$0x1FB80] =	vst v63  }
0x2a: {  	_ =	swait.ge [sflag:s22], $0x4E20  }
0x2b: {  	[sflag:s22] =	ssyncset.done $0x0  }
0x2c: {  	s5 =	simm.s32 $0x0;
	[sflag:s22] =	ssyncadd.s32 $0xFFFFB1E0  }
0x2d: {  	s7 =	simm.s32 $0x40;
	v5 =	vld [tilespmem:s5+$0x9D00]  }
.LBB2_2:
0x2e: {  	p0 =	sne.s32 s7, $0x13840;
	v6 =	vld [tilespmem:s5+$0x4E80];
	_ =	sdelay $0x1  }
.Ltmp0:
0x2f: {  	(pc) =	sbr.rel @p0 .LBB2_2-.Ltmp0, $3  }
0x30: {  	_ =	sdelay $0x1  }
0x31: {  	s8 =	sshra.s32 s7, $0x2;
	v6 =	vadd.s32 v6, v5  }
0x32: {  	s7 =	sadd.s32 $0x40, s7;
	v5 =	vld [tilespmem:s8+$0x9D00];
	[tilespmem:s5+$0x4E80] =	vst v6;
	s5 =	smov.u32 s8  }
0x33: {  	v6 =	vld [tilespmem:s5+$0x4E80];
	_ =	sdelay $0x3  }
0x34: {  	s7 =	stileid.u32  }
0x35: {  	s11 =	rddreg [dreg:$0x8];
	s7 =	sshll.u32 s7, $0x6;
	v5 =	vadd.s32 v6, v5  }
0x36: {  	s8 =	simm.s32 $0x0;
	[tilespmem:s5+$0x4E80] =	vst v5;
	s5 =	sor.u32 $0x1C03, s7;
	s7 =	sshrl.u32 s11, $0x3  }
0x37: {  	[spmem:s7], [sflag:s5] =	dma.local [hbm:s6], $0x2100  }
0x38: {  	s9 =	simm.s32 $0x40;
	v5 =	vld [tilespmem:s8+$0x4E80]  }
.LBB2_4:
0x39: {  	_ =	sdelay $0x1  }
0x3a: {  	p0 =	sne.s32 s9, $0x13840  }
.Ltmp1:
0x3b: {  	_ = 	snop;
	(pc) =	sbr.rel @p0 .LBB2_4-.Ltmp1, $4  }
0x3c: {  	v6 =	vsub.s32 v5, v0;
	v7 =	vand.u32 $0x3FF, v5  }
0x3d: {  	v7 =	vor.u32 $0x104000, v7;
	vm0 =	vlt.u32 v6, $0x104000  }
0x3e: {  	s10 =	sshra.s32 s9, $0x2;
	v6 =	vsel vm0, v6, v7  }
0x3f: {  	s9 =	sadd.s32 $0x40, s9;
	v5 =	vld [tilespmem:s10+$0x4E80];
	[tilespmem:s8+$0x9D00] =	vst v6;
	s8 =	smov.u32 s10  }
0x40: {  	_ =	sdelay $0x3  }
0x41: {  	v6 =	vsub.s32 v5, v0;
	v5 =	vand.u32 $0x3FF, v5  }
0x42: {  	v5 =	vor.u32 $0x104000, v5;
	vm0 =	vlt.u32 v6, $0x104000  }
0x43: {  	v5 =	vsel vm0, v6, v5  }
0x44: {  	[tilespmem:s8+$0x9D00] =	vst v5  }
0x45: {  	_ =	swait.ge [sflag:s23], $0x2100  }
0x46: {  	[sflag:s23] =	ssyncset.done $0x0  }
0x47: {  	[sflag:s23] =	ssyncadd.s32 $0xFFFFDF00  }
0x48: {  	[bflag:$0x0] =	sbarrier.arrive $0xFFFF  }
0x49: {  	[spmem:s3] =	stream.indirect.scatter.add.f32 [tilespmem:s18], [sflag:$0x4], $0x1, s21, s24, $0xb8;
	[tilespmem:$0x1FB80] =	vst v63  }
0x4a: {  	_ = 	snop  }
0x4b: {  	[spmem:s3] =	stream.indirect.scatter.add.f32 [tilespmem:s18], [sflag:$0x4], $0x1, s25, s24, $0xb8;
	[tilespmem:$0x1FB80] =	vst v63  }
0x4c: {  	_ = 	snop  }
0x4d: {  	[spmem:s3] =	stream.indirect.scatter.add.f32 [tilespmem:s18], [sflag:$0x4], $0x1, s26, s24, $0xb8;
	[tilespmem:$0x1FB80] =	vst v63  }
0x4e: {  	_ = 	snop  }
0x4f: {  	[spmem:s3] =	stream.indirect.scatter.add.f32 [tilespmem:s18], [sflag:$0x4], $0x1, s28, s24, $0xb8;
	[tilespmem:$0x1FB80] =	vst v63  }
0x50: {  	_ =	swait.ge [sflag:s29], $0x7D0  }
0x51: {  	[sflag:s29] =	ssyncset.done $0x0  }
0x52: {  	[sflag:s29] =	ssyncadd.s32 $0xFFFFF830  }
0x53: {  	[spmem:s3] =	stream.indirect.scatter.add.f32 [tilespmem:s18], [sflag:$0x4], $0x1, s30, s24, $0xb8;
	[tilespmem:$0x1FB80] =	vst v63  }
0x54: {  	_ =	swait.ge [sflag:s29], $0x7D0  }
0x55: {  	[sflag:s29] =	ssyncset.done $0x0  }
0x56: {  	[sflag:s29] =	ssyncadd.s32 $0xFFFFF830  }
0x57: {  	[spmem:s3] =	stream.indirect.scatter.add.f32 [tilespmem:s18], [sflag:$0x4], $0x1, s31, s24, $0xb8;
	[tilespmem:$0x1FB80] =	vst v63  }
0x58: {  	_ =	swait.ge [sflag:s29], $0x7D0  }
0x59: {  	[sflag:s29] =	ssyncset.done $0x0  }
0x5a: {  	[sflag:s29] =	ssyncadd.s32 $0xFFFFF830  }
0x5b: {  	[spmem:s3] =	stream.indirect.scatter.add.f32 [tilespmem:s18], [sflag:$0x4], $0x1, s0, s24, $0xb8;
	[tilespmem:$0x1FB80] =	vst v63  }
0x5c: {  	_ =	swait.ge [sflag:s29], $0x7D0  }
0x5d: {  	[sflag:s29] =	ssyncset.done $0x0  }
0x5e: {  	[sflag:s29] =	ssyncadd.s32 $0xFFFFF830  }
0x5f: {  	[spmem:s3] =	stream.indirect.scatter.add.f32 [tilespmem:s18], [sflag:$0x4], $0x1, s1, s24, $0xb8;
	[tilespmem:$0x1FB80] =	vst v63  }
0x60: {  	_ =	swait.ge [sflag:s29], $0x7D0  }
0x61: {  	[sflag:s29] =	ssyncset.done $0x0  }
0x62: {  	[sflag:s29] =	ssyncadd.s32 $0xFFFFF830  }
0x63: {  	[spmem:s3] =	stream.indirect.scatter.add.f32 [tilespmem:s18], [sflag:$0x4], $0x1, s17, s24, $0xb8;
	[tilespmem:$0x1FB80] =	vst v63  }
0x64: {  	_ =	swait.ge [sflag:s29], $0x7D0  }
0x65: {  	[sflag:s29] =	ssyncset.done $0x0  }
0x66: {  	[sflag:s29] =	ssyncadd.s32 $0xFFFFF830  }
0x67: {  	[spmem:s3] =	stream.indirect.scatter.add.f32 [tilespmem:s18], [sflag:$0x4], $0x1, s20, s24, $0xb8;
	[tilespmem:$0x1FB80] =	vst v63  }
0x68: {  	_ =	swait.ge [sflag:s29], $0x7D0  }
0x69: {  	[sflag:s29] =	ssyncset.done $0x0  }
0x6a: {  	[sflag:s29] =	ssyncadd.s32 $0xFFFFF830  }
0x6b: {  	_ =	swait.ge [sflag:s29], $0x7D0  }
0x6c: {  	[sflag:s29] =	ssyncset.done $0x0  }
0x6d: {  	[sflag:s29] =	ssyncadd.s32 $0xFFFFF830  }
0x6e: {  	_ =	swait.ge [sflag:s29], $0x7D0  }
0x6f: {  	[sflag:s29] =	ssyncset.done $0x0  }
0x70: {  	[sflag:s29] =	ssyncadd.s32 $0xFFFFF830  }
0x71: {  	_ =	swait.ge [sflag:s29], $0x7D0  }
0x72: {  	[sflag:s29] =	ssyncset.done $0x0  }
0x73: {  	[sflag:s29] =	ssyncadd.s32 $0xFFFFF830  }
0x74: {  	[bflag:$0x0] =	sbarrier.arrive $0xFFFF  }
0x75: {  	s11 =	rddreg [dreg:$0xa]  }
0x76: {  	s9 =	rddreg [dreg:$0x9];
	s8 =	sshrl.u32 s11, $0x3  }
0x77: {  	[hbm:s9], [sflag:s5] =	dma.local [spmem:s8], $0x2080  }
0x78: {  	_ =	swait.ge [sflag:s23], $0x2080  }
0x79: {  	[sflag:s23] =	ssyncset.done $0x0  }
0x7a: {  	[sflag:s23] =	ssyncadd.s32 $0xFFFFDF80  }
0x7b: {  	s9 =	simm.s32 $0x0;
	[bflag:$0x0] =	sbarrier.arrive $0xFFFF  }
0x7c: {  	[spmem:s7], [sflag:s5] =	dma.local [hbm:s6], $0x2100  }
0x7d: {  	s10 =	simm.s32 $0x40;
	v5 =	vld [tilespmem:s9+$0x4E80]  }
.LBB2_6:
0x7e: {  	_ =	sdelay $0x1  }
0x7f: {  	p0 =	sne.s32 s10, $0x13840  }
.Ltmp2:
0x80: {  	_ = 	snop;
	(pc) =	sbr.rel @p0 .LBB2_6-.Ltmp2, $4  }
0x81: {  	v6 =	vsub.s32 v5, v1;
	v7 =	vand.u32 $0x3FF, v5  }
0x82: {  	v7 =	vor.u32 $0x104000, v7;
	vm0 =	vlt.u32 v6, $0x104000  }
0x83: {  	s11 =	sshra.s32 s10, $0x2;
	v6 =	vsel vm0, v6, v7  }
0x84: {  	s10 =	sadd.s32 $0x40, s10;
	v5 =	vld [tilespmem:s11+$0x4E80];
	[tilespmem:s9+$0x9D00] =	vst v6;
	s9 =	smov.u32 s11  }
0x85: {  	_ =	sdelay $0x3  }
0x86: {  	v6 =	vsub.s32 v5, v1;
	v5 =	vand.u32 $0x3FF, v5  }
0x87: {  	v5 =	vor.u32 $0x104000, v5;
	vm0 =	vlt.u32 v6, $0x104000  }
0x88: {  	v5 =	vsel vm0, v6, v5  }
0x89: {  	[tilespmem:s9+$0x9D00] =	vst v5  }
0x8a: {  	_ =	swait.ge [sflag:s23], $0x2100  }
0x8b: {  	[sflag:s23] =	ssyncset.done $0x0  }
0x8c: {  	[sflag:s23] =	ssyncadd.s32 $0xFFFFDF00  }
0x8d: {  	[bflag:$0x0] =	sbarrier.arrive $0xFFFF  }
0x8e: {  	[spmem:s3] =	stream.indirect.scatter.add.f32 [tilespmem:s18], [sflag:$0x4], $0x1, s21, s24, $0xb8;
	[tilespmem:$0x1FB80] =	vst v63  }
0x8f: {  	_ = 	snop  }
0x90: {  	[spmem:s3] =	stream.indirect.scatter.add.f32 [tilespmem:s18], [sflag:$0x4], $0x1, s25, s24, $0xb8;
	[tilespmem:$0x1FB80] =	vst v63  }
0x91: {  	_ = 	snop  }
0x92: {  	[spmem:s3] =	stream.indirect.scatter.add.f32 [tilespmem:s18], [sflag:$0x4], $0x1, s26, s24, $0xb8;
	[tilespmem:$0x1FB80] =	vst v63  }
0x93: {  	_ = 	snop  }
0x94: {  	[spmem:s3] =	stream.indirect.scatter.add.f32 [tilespmem:s18], [sflag:$0x4], $0x1, s28, s24, $0xb8;
	[tilespmem:$0x1FB80] =	vst v63  }
0x95: {  	_ =	swait.ge [sflag:s29], $0x7D0  }
0x96: {  	[sflag:s29] =	ssyncset.done $0x0  }
0x97: {  	[sflag:s29] =	ssyncadd.s32 $0xFFFFF830  }
0x98: {  	[spmem:s3] =	stream.indirect.scatter.add.f32 [tilespmem:s18], [sflag:$0x4], $0x1, s30, s24, $0xb8;
	[tilespmem:$0x1FB80] =	vst v63  }
0x99: {  	_ =	swait.ge [sflag:s29], $0x7D0  }
0x9a: {  	[sflag:s29] =	ssyncset.done $0x0  }
0x9b: {  	[sflag:s29] =	ssyncadd.s32 $0xFFFFF830  }
0x9c: {  	[spmem:s3] =	stream.indirect.scatter.add.f32 [tilespmem:s18], [sflag:$0x4], $0x1, s31, s24, $0xb8;
	[tilespmem:$0x1FB80] =	vst v63  }
0x9d: {  	_ =	swait.ge [sflag:s29], $0x7D0  }
0x9e: {  	[sflag:s29] =	ssyncset.done $0x0  }
0x9f: {  	[sflag:s29] =	ssyncadd.s32 $0xFFFFF830  }
0xa0: {  	[spmem:s3] =	stream.indirect.scatter.add.f32 [tilespmem:s18], [sflag:$0x4], $0x1, s0, s24, $0xb8;
	[tilespmem:$0x1FB80] =	vst v63  }
0xa1: {  	_ =	swait.ge [sflag:s29], $0x7D0  }
0xa2: {  	[sflag:s29] =	ssyncset.done $0x0  }
0xa3: {  	[sflag:s29] =	ssyncadd.s32 $0xFFFFF830  }
0xa4: {  	[spmem:s3] =	stream.indirect.scatter.add.f32 [tilespmem:s18], [sflag:$0x4], $0x1, s1, s24, $0xb8;
	[tilespmem:$0x1FB80] =	vst v63  }
0xa5: {  	_ =	swait.ge [sflag:s29], $0x7D0  }
0xa6: {  	[sflag:s29] =	ssyncset.done $0x0  }
0xa7: {  	[sflag:s29] =	ssyncadd.s32 $0xFFFFF830  }
0xa8: {  	[spmem:s3] =	stream.indirect.scatter.add.f32 [tilespmem:s18], [sflag:$0x4], $0x1, s17, s24, $0xb8;
	[tilespmem:$0x1FB80] =	vst v63  }
0xa9: {  	_ =	swait.ge [sflag:s29], $0x7D0  }
0xaa: {  	[sflag:s29] =	ssyncset.done $0x0  }
0xab: {  	[sflag:s29] =	ssyncadd.s32 $0xFFFFF830  }
0xac: {  	[spmem:s3] =	stream.indirect.scatter.add.f32 [tilespmem:s18], [sflag:$0x4], $0x1, s20, s24, $0xb8;
	[tilespmem:$0x1FB80] =	vst v63  }
0xad: {  	_ =	swait.ge [sflag:s29], $0x7D0  }
0xae: {  	[sflag:s29] =	ssyncset.done $0x0  }
0xaf: {  	[sflag:s29] =	ssyncadd.s32 $0xFFFFF830  }
0xb0: {  	_ =	swait.ge [sflag:s29], $0x7D0  }
0xb1: {  	[sflag:s29] =	ssyncset.done $0x0  }
0xb2: {  	[sflag:s29] =	ssyncadd.s32 $0xFFFFF830  }
0xb3: {  	_ =	swait.ge [sflag:s29], $0x7D0  }
0xb4: {  	[sflag:s29] =	ssyncset.done $0x0  }
0xb5: {  	[sflag:s29] =	ssyncadd.s32 $0xFFFFF830  }
0xb6: {  	_ =	swait.ge [sflag:s29], $0x7D0  }
0xb7: {  	[sflag:s29] =	ssyncset.done $0x0  }
0xb8: {  	[sflag:s29] =	ssyncadd.s32 $0xFFFFF830  }
0xb9: {  	[bflag:$0x0] =	sbarrier.arrive $0xFFFF  }
0xba: {  	[hbm:s12], [sflag:s5] =	dma.local [spmem:s8], $0x2080  }
0xbb: {  	_ =	swait.ge [sflag:s23], $0x2080  }
0xbc: {  	[sflag:s23] =	ssyncset.done $0x0  }
0xbd: {  	[sflag:s23] =	ssyncadd.s32 $0xFFFFDF80  }
0xbe: {  	s9 =	simm.s32 $0x0;
	[bflag:$0x0] =	sbarrier.arrive $0xFFFF  }
0xbf: {  	[spmem:s7], [sflag:s5] =	dma.local [hbm:s6], $0x2100  }
0xc0: {  	s10 =	simm.s32 $0x40;
	v5 =	vld [tilespmem:s9+$0x4E80]  }
.LBB2_8:
0xc1: {  	_ =	sdelay $0x1  }
0xc2: {  	p0 =	sne.s32 s10, $0x13840  }
.Ltmp3:
0xc3: {  	_ = 	snop;
	(pc) =	sbr.rel @p0 .LBB2_8-.Ltmp3, $4  }
0xc4: {  	v6 =	vsub.s32 v5, v2;
	v7 =	vand.u32 $0x3FF, v5  }
0xc5: {  	v7 =	vor.u32 $0x104000, v7;
	vm0 =	vlt.u32 v6, $0x104000  }
0xc6: {  	s11 =	sshra.s32 s10, $0x2;
	v6 =	vsel vm0, v6, v7  }
0xc7: {  	s10 =	sadd.s32 $0x40, s10;
	v5 =	vld [tilespmem:s11+$0x4E80];
	[tilespmem:s9+$0x9D00] =	vst v6;
	s9 =	smov.u32 s11  }
0xc8: {  	_ =	sdelay $0x3  }
0xc9: {  	v6 =	vsub.s32 v5, v2;
	v5 =	vand.u32 $0x3FF, v5  }
0xca: {  	v5 =	vor.u32 $0x104000, v5;
	vm0 =	vlt.u32 v6, $0x104000  }
0xcb: {  	v5 =	vsel vm0, v6, v5  }
0xcc: {  	[tilespmem:s9+$0x9D00] =	vst v5  }
0xcd: {  	_ =	swait.ge [sflag:s23], $0x2100  }
0xce: {  	[sflag:s23] =	ssyncset.done $0x0  }
0xcf: {  	[sflag:s23] =	ssyncadd.s32 $0xFFFFDF00  }
0xd0: {  	[bflag:$0x0] =	sbarrier.arrive $0xFFFF  }
0xd1: {  	[spmem:s3] =	stream.indirect.scatter.add.f32 [tilespmem:s18], [sflag:$0x4], $0x1, s21, s24, $0xb8;
	[tilespmem:$0x1FB80] =	vst v63  }
0xd2: {  	_ = 	snop  }
0xd3: {  	[spmem:s3] =	stream.indirect.scatter.add.f32 [tilespmem:s18], [sflag:$0x4], $0x1, s25, s24, $0xb8;
	[tilespmem:$0x1FB80] =	vst v63  }
0xd4: {  	_ = 	snop  }
0xd5: {  	[spmem:s3] =	stream.indirect.scatter.add.f32 [tilespmem:s18], [sflag:$0x4], $0x1, s26, s24, $0xb8;
	[tilespmem:$0x1FB80] =	vst v63  }
0xd6: {  	_ = 	snop  }
0xd7: {  	[spmem:s3] =	stream.indirect.scatter.add.f32 [tilespmem:s18], [sflag:$0x4], $0x1, s28, s24, $0xb8;
	[tilespmem:$0x1FB80] =	vst v63  }
0xd8: {  	_ =	swait.ge [sflag:s29], $0x7D0  }
0xd9: {  	[sflag:s29] =	ssyncset.done $0x0  }
0xda: {  	[sflag:s29] =	ssyncadd.s32 $0xFFFFF830  }
0xdb: {  	[spmem:s3] =	stream.indirect.scatter.add.f32 [tilespmem:s18], [sflag:$0x4], $0x1, s30, s24, $0xb8;
	[tilespmem:$0x1FB80] =	vst v63  }
0xdc: {  	_ =	swait.ge [sflag:s29], $0x7D0  }
0xdd: {  	[sflag:s29] =	ssyncset.done $0x0  }
0xde: {  	[sflag:s29] =	ssyncadd.s32 $0xFFFFF830  }
0xdf: {  	[spmem:s3] =	stream.indirect.scatter.add.f32 [tilespmem:s18], [sflag:$0x4], $0x1, s31, s24, $0xb8;
	[tilespmem:$0x1FB80] =	vst v63  }
0xe0: {  	_ =	swait.ge [sflag:s29], $0x7D0  }
0xe1: {  	[sflag:s29] =	ssyncset.done $0x0  }
0xe2: {  	[sflag:s29] =	ssyncadd.s32 $0xFFFFF830  }
0xe3: {  	[spmem:s3] =	stream.indirect.scatter.add.f32 [tilespmem:s18], [sflag:$0x4], $0x1, s0, s24, $0xb8;
	[tilespmem:$0x1FB80] =	vst v63  }
0xe4: {  	_ =	swait.ge [sflag:s29], $0x7D0  }
0xe5: {  	[sflag:s29] =	ssyncset.done $0x0  }
0xe6: {  	[sflag:s29] =	ssyncadd.s32 $0xFFFFF830  }
0xe7: {  	[spmem:s3] =	stream.indirect.scatter.add.f32 [tilespmem:s18], [sflag:$0x4], $0x1, s1, s24, $0xb8;
	[tilespmem:$0x1FB80] =	vst v63  }
0xe8: {  	_ =	swait.ge [sflag:s29], $0x7D0  }
0xe9: {  	[sflag:s29] =	ssyncset.done $0x0  }
0xea: {  	[sflag:s29] =	ssyncadd.s32 $0xFFFFF830  }
0xeb: {  	[spmem:s3] =	stream.indirect.scatter.add.f32 [tilespmem:s18], [sflag:$0x4], $0x1, s17, s24, $0xb8;
	[tilespmem:$0x1FB80] =	vst v63  }
0xec: {  	_ =	swait.ge [sflag:s29], $0x7D0  }
0xed: {  	[sflag:s29] =	ssyncset.done $0x0  }
0xee: {  	[sflag:s29] =	ssyncadd.s32 $0xFFFFF830  }
0xef: {  	[spmem:s3] =	stream.indirect.scatter.add.f32 [tilespmem:s18], [sflag:$0x4], $0x1, s20, s24, $0xb8;
	[tilespmem:$0x1FB80] =	vst v63  }
0xf0: {  	_ =	swait.ge [sflag:s29], $0x7D0  }
0xf1: {  	[sflag:s29] =	ssyncset.done $0x0  }
0xf2: {  	[sflag:s29] =	ssyncadd.s32 $0xFFFFF830  }
0xf3: {  	_ =	swait.ge [sflag:s29], $0x7D0  }
0xf4: {  	[sflag:s29] =	ssyncset.done $0x0  }
0xf5: {  	[sflag:s29] =	ssyncadd.s32 $0xFFFFF830  }
0xf6: {  	_ =	swait.ge [sflag:s29], $0x7D0  }
0xf7: {  	[sflag:s29] =	ssyncset.done $0x0  }
0xf8: {  	[sflag:s29] =	ssyncadd.s32 $0xFFFFF830  }
0xf9: {  	_ =	swait.ge [sflag:s29], $0x7D0  }
0xfa: {  	[sflag:s29] =	ssyncset.done $0x0  }
0xfb: {  	[sflag:s29] =	ssyncadd.s32 $0xFFFFF830  }
0xfc: {  	[bflag:$0x0] =	sbarrier.arrive $0xFFFF  }
0xfd: {  	[hbm:s13], [sflag:s5] =	dma.local [spmem:s8], $0x2080  }
0xfe: {  	_ =	swait.ge [sflag:s23], $0x2080  }
0xff: {  	[sflag:s23] =	ssyncset.done $0x0  }
0x100: {  	[sflag:s23] =	ssyncadd.s32 $0xFFFFDF80  }
0x101: {  	s9 =	simm.s32 $0x0;
	[bflag:$0x0] =	sbarrier.arrive $0xFFFF  }
0x102: {  	[spmem:s7], [sflag:s5] =	dma.local [hbm:s6], $0x2100  }
0x103: {  	s10 =	simm.s32 $0x40;
	v5 =	vld [tilespmem:s9+$0x4E80]  }
.LBB2_10:
0x104: {  	_ =	sdelay $0x1  }
0x105: {  	p0 =	sne.s32 s10, $0x13840  }
.Ltmp4:
0x106: {  	_ = 	snop;
	(pc) =	sbr.rel @p0 .LBB2_10-.Ltmp4, $4  }
0x107: {  	v6 =	vsub.s32 v5, v3;
	v7 =	vand.u32 $0x3FF, v5  }
0x108: {  	v7 =	vor.u32 $0x104000, v7;
	vm0 =	vlt.u32 v6, $0x104000  }
0x109: {  	s11 =	sshra.s32 s10, $0x2;
	v6 =	vsel vm0, v6, v7  }
0x10a: {  	s10 =	sadd.s32 $0x40, s10;
	v5 =	vld [tilespmem:s11+$0x4E80];
	[tilespmem:s9+$0x9D00] =	vst v6;
	s9 =	smov.u32 s11  }
0x10b: {  	_ =	sdelay $0x3  }
0x10c: {  	v6 =	vsub.s32 v5, v3;
	v5 =	vand.u32 $0x3FF, v5  }
0x10d: {  	v5 =	vor.u32 $0x104000, v5;
	vm0 =	vlt.u32 v6, $0x104000  }
0x10e: {  	v5 =	vsel vm0, v6, v5  }
0x10f: {  	[tilespmem:s9+$0x9D00] =	vst v5  }
0x110: {  	_ =	swait.ge [sflag:s23], $0x2100  }
0x111: {  	[sflag:s23] =	ssyncset.done $0x0  }
0x112: {  	[sflag:s23] =	ssyncadd.s32 $0xFFFFDF00  }
0x113: {  	[bflag:$0x0] =	sbarrier.arrive $0xFFFF  }
0x114: {  	[spmem:s3] =	stream.indirect.scatter.add.f32 [tilespmem:s18], [sflag:$0x4], $0x1, s21, s24, $0xb8;
	[tilespmem:$0x1FB80] =	vst v63  }
0x115: {  	_ = 	snop  }
0x116: {  	[spmem:s3] =	stream.indirect.scatter.add.f32 [tilespmem:s18], [sflag:$0x4], $0x1, s25, s24, $0xb8;
	[tilespmem:$0x1FB80] =	vst v63  }
0x117: {  	_ = 	snop  }
0x118: {  	[spmem:s3] =	stream.indirect.scatter.add.f32 [tilespmem:s18], [sflag:$0x4], $0x1, s26, s24, $0xb8;
	[tilespmem:$0x1FB80] =	vst v63  }
0x119: {  	_ = 	snop  }
0x11a: {  	[spmem:s3] =	stream.indirect.scatter.add.f32 [tilespmem:s18], [sflag:$0x4], $0x1, s28, s24, $0xb8;
	[tilespmem:$0x1FB80] =	vst v63  }
0x11b: {  	_ =	swait.ge [sflag:s29], $0x7D0  }
0x11c: {  	[sflag:s29] =	ssyncset.done $0x0  }
0x11d: {  	[sflag:s29] =	ssyncadd.s32 $0xFFFFF830  }
0x11e: {  	[spmem:s3] =	stream.indirect.scatter.add.f32 [tilespmem:s18], [sflag:$0x4], $0x1, s30, s24, $0xb8;
	[tilespmem:$0x1FB80] =	vst v63  }
0x11f: {  	_ =	swait.ge [sflag:s29], $0x7D0  }
0x120: {  	[sflag:s29] =	ssyncset.done $0x0  }
0x121: {  	[sflag:s29] =	ssyncadd.s32 $0xFFFFF830  }
0x122: {  	[spmem:s3] =	stream.indirect.scatter.add.f32 [tilespmem:s18], [sflag:$0x4], $0x1, s31, s24, $0xb8;
	[tilespmem:$0x1FB80] =	vst v63  }
0x123: {  	_ =	swait.ge [sflag:s29], $0x7D0  }
0x124: {  	[sflag:s29] =	ssyncset.done $0x0  }
0x125: {  	[sflag:s29] =	ssyncadd.s32 $0xFFFFF830  }
0x126: {  	[spmem:s3] =	stream.indirect.scatter.add.f32 [tilespmem:s18], [sflag:$0x4], $0x1, s0, s24, $0xb8;
	[tilespmem:$0x1FB80] =	vst v63  }
0x127: {  	_ =	swait.ge [sflag:s29], $0x7D0  }
0x128: {  	[sflag:s29] =	ssyncset.done $0x0  }
0x129: {  	[sflag:s29] =	ssyncadd.s32 $0xFFFFF830  }
0x12a: {  	[spmem:s3] =	stream.indirect.scatter.add.f32 [tilespmem:s18], [sflag:$0x4], $0x1, s1, s24, $0xb8;
	[tilespmem:$0x1FB80] =	vst v63  }
0x12b: {  	_ =	swait.ge [sflag:s29], $0x7D0  }
0x12c: {  	[sflag:s29] =	ssyncset.done $0x0  }
0x12d: {  	[sflag:s29] =	ssyncadd.s32 $0xFFFFF830  }
0x12e: {  	[spmem:s3] =	stream.indirect.scatter.add.f32 [tilespmem:s18], [sflag:$0x4], $0x1, s17, s24, $0xb8;
	[tilespmem:$0x1FB80] =	vst v63  }
0x12f: {  	_ =	swait.ge [sflag:s29], $0x7D0  }
0x130: {  	[sflag:s29] =	ssyncset.done $0x0  }
0x131: {  	[sflag:s29] =	ssyncadd.s32 $0xFFFFF830  }
0x132: {  	[spmem:s3] =	stream.indirect.scatter.add.f32 [tilespmem:s18], [sflag:$0x4], $0x1, s20, s24, $0xb8;
	[tilespmem:$0x1FB80] =	vst v63  }
0x133: {  	_ =	swait.ge [sflag:s29], $0x7D0  }
0x134: {  	[sflag:s29] =	ssyncset.done $0x0  }
0x135: {  	[sflag:s29] =	ssyncadd.s32 $0xFFFFF830  }
0x136: {  	_ =	swait.ge [sflag:s29], $0x7D0  }
0x137: {  	[sflag:s29] =	ssyncset.done $0x0  }
0x138: {  	[sflag:s29] =	ssyncadd.s32 $0xFFFFF830  }
0x139: {  	_ =	swait.ge [sflag:s29], $0x7D0  }
0x13a: {  	[sflag:s29] =	ssyncset.done $0x0  }
0x13b: {  	[sflag:s29] =	ssyncadd.s32 $0xFFFFF830  }
0x13c: {  	_ =	swait.ge [sflag:s29], $0x7D0  }
0x13d: {  	[sflag:s29] =	ssyncset.done $0x0  }
0x13e: {  	[sflag:s29] =	ssyncadd.s32 $0xFFFFF830  }
0x13f: {  	[bflag:$0x0] =	sbarrier.arrive $0xFFFF  }
0x140: {  	[hbm:s14], [sflag:s5] =	dma.local [spmem:s8], $0x2080  }
0x141: {  	_ =	swait.ge [sflag:s23], $0x2080  }
0x142: {  	[sflag:s23] =	ssyncset.done $0x0  }
0x143: {  	[sflag:s23] =	ssyncadd.s32 $0xFFFFDF80  }
0x144: {  	[bflag:$0x0] =	sbarrier.arrive $0xFFFF  }
0x145: {  	[spmem:s7], [sflag:s5] =	dma.local [hbm:s6], $0x2100  }
0x146: {  	s7 =	simm.s32 $0x0  }
0x147: {  	s9 =	simm.s32 $0x40;
	v5 =	vld [tilespmem:s7+$0x4E80]  }
.LBB2_12:
0x148: {  	_ =	sdelay $0x1  }
0x149: {  	p0 =	sne.s32 s9, $0x13840  }
.Ltmp5:
0x14a: {  	_ = 	snop;
	(pc) =	sbr.rel @p0 .LBB2_12-.Ltmp5, $4  }
0x14b: {  	v6 =	vsub.s32 v5, v4;
	v7 =	vand.u32 $0x3FF, v5  }
0x14c: {  	v7 =	vor.u32 $0x104000, v7;
	vm0 =	vlt.u32 v6, $0x104000  }
0x14d: {  	s10 =	sshra.s32 s9, $0x2;
	v6 =	vsel vm0, v6, v7  }
0x14e: {  	s9 =	sadd.s32 $0x40, s9;
	v5 =	vld [tilespmem:s10+$0x4E80];
	[tilespmem:s7+$0x9D00] =	vst v6;
	s7 =	smov.u32 s10  }
0x14f: {  	_ =	sdelay $0x3  }
0x150: {  	v6 =	vsub.s32 v5, v4;
	v5 =	vand.u32 $0x3FF, v5  }
0x151: {  	v5 =	vor.u32 $0x104000, v5;
	vm0 =	vlt.u32 v6, $0x104000  }
0x152: {  	v5 =	vsel vm0, v6, v5  }
0x153: {  	[tilespmem:s7+$0x9D00] =	vst v5  }
0x154: {  	_ =	swait.ge [sflag:s23], $0x2100  }
0x155: {  	[sflag:s23] =	ssyncset.done $0x0  }
0x156: {  	[sflag:s23] =	ssyncadd.s32 $0xFFFFDF00  }
0x157: {  	[bflag:$0x0] =	sbarrier.arrive $0xFFFF  }
0x158: {  	[spmem:s3] =	stream.indirect.scatter.add.f32 [tilespmem:s18], [sflag:$0x4], $0x1, s21, s24, $0xb8;
	[tilespmem:$0x1FB80] =	vst v63  }
0x159: {  	_ = 	snop  }
0x15a: {  	[spmem:s3] =	stream.indirect.scatter.add.f32 [tilespmem:s18], [sflag:$0x4], $0x1, s25, s24, $0xb8;
	[tilespmem:$0x1FB80] =	vst v63  }
0x15b: {  	_ = 	snop  }
0x15c: {  	[spmem:s3] =	stream.indirect.scatter.add.f32 [tilespmem:s18], [sflag:$0x4], $0x1, s26, s24, $0xb8;
	[tilespmem:$0x1FB80] =	vst v63  }
0x15d: {  	_ = 	snop  }
0x15e: {  	[spmem:s3] =	stream.indirect.scatter.add.f32 [tilespmem:s18], [sflag:$0x4], $0x1, s28, s24, $0xb8;
	[tilespmem:$0x1FB80] =	vst v63  }
0x15f: {  	_ =	swait.ge [sflag:s29], $0x7D0  }
0x160: {  	[sflag:s29] =	ssyncset.done $0x0  }
0x161: {  	[sflag:s29] =	ssyncadd.s32 $0xFFFFF830  }
0x162: {  	[spmem:s3] =	stream.indirect.scatter.add.f32 [tilespmem:s18], [sflag:$0x4], $0x1, s30, s24, $0xb8;
	[tilespmem:$0x1FB80] =	vst v63  }
0x163: {  	_ =	swait.ge [sflag:s29], $0x7D0  }
0x164: {  	[sflag:s29] =	ssyncset.done $0x0  }
0x165: {  	[sflag:s29] =	ssyncadd.s32 $0xFFFFF830  }
0x166: {  	[spmem:s3] =	stream.indirect.scatter.add.f32 [tilespmem:s18], [sflag:$0x4], $0x1, s31, s24, $0xb8;
	[tilespmem:$0x1FB80] =	vst v63  }
0x167: {  	_ =	swait.ge [sflag:s29], $0x7D0  }
0x168: {  	[sflag:s29] =	ssyncset.done $0x0  }
0x169: {  	[sflag:s29] =	ssyncadd.s32 $0xFFFFF830  }
0x16a: {  	[spmem:s3] =	stream.indirect.scatter.add.f32 [tilespmem:s18], [sflag:$0x4], $0x1, s0, s24, $0xb8;
	[tilespmem:$0x1FB80] =	vst v63  }
0x16b: {  	_ =	swait.ge [sflag:s29], $0x7D0  }
0x16c: {  	[sflag:s29] =	ssyncset.done $0x0  }
0x16d: {  	[sflag:s29] =	ssyncadd.s32 $0xFFFFF830  }
0x16e: {  	[spmem:s3] =	stream.indirect.scatter.add.f32 [tilespmem:s18], [sflag:$0x4], $0x1, s1, s24, $0xb8;
	[tilespmem:$0x1FB80] =	vst v63  }
0x16f: {  	_ =	swait.ge [sflag:s29], $0x7D0  }
0x170: {  	[sflag:s29] =	ssyncset.done $0x0  }
0x171: {  	[sflag:s29] =	ssyncadd.s32 $0xFFFFF830  }
0x172: {  	[spmem:s3] =	stream.indirect.scatter.add.f32 [tilespmem:s18], [sflag:$0x4], $0x1, s17, s24, $0xb8;
	[tilespmem:$0x1FB80] =	vst v63  }
0x173: {  	_ =	swait.ge [sflag:s29], $0x7D0  }
0x174: {  	[sflag:s29] =	ssyncset.done $0x0  }
0x175: {  	[sflag:s29] =	ssyncadd.s32 $0xFFFFF830  }
0x176: {  	[spmem:s3] =	stream.indirect.scatter.add.f32 [tilespmem:s18], [sflag:$0x4], $0x1, s20, s24, $0xb8;
	[tilespmem:$0x1FB80] =	vst v63  }
0x177: {  	_ =	swait.ge [sflag:s29], $0x7D0  }
0x178: {  	[sflag:s29] =	ssyncset.done $0x0  }
0x179: {  	[sflag:s29] =	ssyncadd.s32 $0xFFFFF830  }
0x17a: {  	_ =	swait.ge [sflag:s29], $0x7D0  }
0x17b: {  	[sflag:s29] =	ssyncset.done $0x0  }
0x17c: {  	[sflag:s29] =	ssyncadd.s32 $0xFFFFF830  }
0x17d: {  	_ =	swait.ge [sflag:s29], $0x7D0  }
0x17e: {  	[sflag:s29] =	ssyncset.done $0x0  }
0x17f: {  	[sflag:s29] =	ssyncadd.s32 $0xFFFFF830  }
0x180: {  	_ =	swait.ge [sflag:s29], $0x7D0  }
0x181: {  	[sflag:s29] =	ssyncset.done $0x0  }
0x182: {  	s2 =	sadd.s32 $0x1, s2;
	[sflag:s29] =	ssyncadd.s32 $0xFFFFF830  }
0x183: {  	p0 =	sne.s32 s2, s16;
	[bflag:$0x0] =	sbarrier.arrive $0xFFFF  }
0x184: {  	[hbm:s15], [sflag:s5] =	dma.local [spmem:s8], $0x2080  }
.Ltmp6:
0x185: {  	_ =	swait.ge [sflag:s23], $0x2080;
	(pc) =	sbr.rel @p0 .LBB2_1-.Ltmp6, $3  }
0x186: {  	[sflag:s23] =	ssyncset.done $0x0  }
0x187: {  	[sflag:s23] =	ssyncadd.s32 $0xFFFFDF80  }
0x188: {  	[bflag:$0x0] =	sbarrier.arrive $0xFFFF;
	_ =	sdelay $0x1  }
0x189: {  	_ =	sfence.sel $0x180000  }
0x18a: {  	[bflag:$0x0] =	sbarrier.arrive $0xFFFF  }
0x18b: {  	_ =	strace $0x90000047  }
0x18c: {  	s0 =	stileid.u32;
	[bflag:$0x2] =	sbarrier.arrive $0xFFFF  }
0x18d: {  	p0 =	sne.s32 s0, $0x0;
	s0 =	rddreg [dreg:$0x4]  }
0x18e: {  	s0 =	sadd.s32 @!p0 $0x100000, s0  }
0x18f: {  	[sflag:s0] =	ssyncadd.tile.s32 @!p0 $0x1;
	_ =	shalt  }
.Lfunc_end2:
_tile_overlayer_lowered:
.L_overlay_start_2:
0x190: {  	(tag) =	ssettag $0x2  }
0x191: {  	s0 =	rddreg [dreg:$0x0];
	s2 =	stileid.u32  }
0x192: {  	s1 =	rddreg [dreg:$0x1];
	p0 =	sne.s32 s2, $0x0  }
0x193: {  	s3 =	rddreg [dreg:$0x2];
	[bflag:$0x3] =	sbarrier.arrive $0xFFFF;
	s2 =	simm.s32 @!p0 $0x1C05  }
0x194: {  	[timem:s3], [sflag:s2] =	dma.local @!p0 [hbm:s0], s1  }
0x195: {  	s0 =	simm.s32 @!p0 $0x5  }
0x196: {  	_ =	swait.ge @!p0 [sflag:s0], s1  }
0x197: {  	s1 =	ssub.s32 @!p0 $0x0, s1;
	[sflag:s0] =	ssyncset.done @!p0 $0x0  }
0x198: {  	[sflag:s0] =	ssyncadd.s32 @!p0 s1  }
0x199: {  	[bflag:$0x3] =	sbarrier.arrive $0xFFFF  }
0x19a: {  	_ =	shalt  }

</sc_bundles>
